<compile_context>
chip_gen: v7x
topology: tpu7x:2x2x1
jax: 0.10.2.dev20260603
libtpu: 0.0.44.dev20260713+nightly
codegen_flags: <defaults>
</compile_context>

<pallas_src>
import functools

import jax
import jax.numpy as jnp
from jax import lax
from jax.experimental import pallas as pl
from jax.experimental.pallas import tpu as pltpu
from jax.experimental.pallas import tpu_sc as plsc

N = 10000
E = 320000
D = 128
DH = D // 2
NPAD = 10240
NC, NS, L = 2, 16, 16
C = 128
K2 = -(-E // (NS * C))
K2 = K2 + (-K2) % 4
KH = K2 // 2
EPAD = NS * K2 * C
RPT = NPAD // NS

_mesh = plsc.VectorSubcoreMesh(core_axis_name="c", subcore_axis_name="s")
_sc_params = pltpu.CompilerParams(use_tc_tiling_on_sc=False)



def _zero_vmem(buf, rows, cols):
    @pl.loop(0, rows)
    def _(i):
        @pl.loop(0, cols, step=L)
        def _(kk):
            buf[i, pl.ds(kk, L)] = jnp.zeros((L,), jnp.float32)


@functools.partial(
    pl.kernel,
    out_type=jax.ShapeDtypeStruct((NC, NPAD, L), jnp.float32),
    mesh=_mesh,
    scratch_types=[
        pltpu.VMEM((KH, C), jnp.int32),
        pltpu.VMEM((C, L), jnp.float32),
        pltpu.VMEM((C, L), jnp.float32),
        pltpu.VMEM_SHARED((NPAD, L), jnp.float32),
    ],
    compiler_params=_sc_params,
)
def _sc_count(dst_hbm, out_hbm, dst_v, ones_v, zeros_v, acc):
    c = lax.axis_index("c")
    s = lax.axis_index("s")

    @pl.loop(0, C)
    def _(i):
        ones_v[i, pl.ds(0, L)] = jnp.ones((L,), jnp.float32)
    _zero_vmem(zeros_v, C, L)

    @pl.loop(0, RPT, step=C)
    def _(r):
        pltpu.sync_copy(zeros_v, acc.at[pl.ds(s * RPT + r, C)])
    plsc.subcore_barrier()

    pltpu.sync_copy(dst_hbm.at[s].at[pl.ds(c * KH, KH)], dst_v)

    @pl.loop(0, KH)
    def _(j):
        pltpu.sync_copy(ones_v, acc.at[dst_v.at[j]], add=True)
    plsc.subcore_barrier()

    pltpu.sync_copy(acc.at[pl.ds(s * RPT, RPT)],
                    out_hbm.at[c, pl.ds(s * RPT, RPT)])


KB = 40
NB = K2 // KB


@functools.partial(
    pl.kernel,
    out_type=jax.ShapeDtypeStruct((NPAD, D), jnp.float32),
    mesh=_mesh,
    scratch_types=[
        pltpu.VMEM((KB, C), jnp.int32),
        pltpu.VMEM((KB, C), jnp.int32),
        pltpu.VMEM((C, DH), jnp.float32),
        pltpu.VMEM((C, DH), jnp.float32),
        pltpu.VMEM_SHARED((NPAD, DH), jnp.float32),
        pltpu.VMEM_SHARED((NPAD, DH), jnp.float32),
        pltpu.SemaphoreType.DMA,
        pltpu.SemaphoreType.DMA,
    ],
    compiler_params=_sc_params,
)
def _sc_aggregate(g_hbm, src_hbm, dst_hbm, out_hbm,
                  src_v, dst_v, r0, r1, g_s, acc, gs0, gs1):
    c = lax.axis_index("c")
    s = lax.axis_index("s")

    pltpu.sync_copy(g_hbm.at[pl.ds(s * RPT, RPT), pl.ds(c * DH, DH)],
                    g_s.at[pl.ds(s * RPT, RPT)])
    _zero_vmem(r0, C, DH)

    @pl.loop(0, RPT, step=C)
    def _(r):
        pltpu.sync_copy(r0, acc.at[pl.ds(s * RPT + r, C)])
    plsc.subcore_barrier()

    @pl.loop(0, NB)
    def _(blk):
        pltpu.sync_copy(src_hbm.at[s].at[pl.ds(blk * KB, KB)], src_v)
        pltpu.sync_copy(dst_hbm.at[s].at[pl.ds(blk * KB, KB)], dst_v)
        pltpu.async_copy(g_s.at[src_v.at[0]], r0, gs0)

        @pl.loop(0, KB, step=2)
        def _(j):
            pltpu.make_async_copy(g_s.at[src_v.at[j]], r0, gs0).wait()
            pltpu.async_copy(g_s.at[src_v.at[j + 1]], r1, gs1)
            pltpu.sync_copy(r0, acc.at[dst_v.at[j]], add=True)
            pltpu.make_async_copy(g_s.at[src_v.at[j + 1]], r1, gs1).wait()

            @pl.when(j + 2 < KB)
            def _():
                pltpu.async_copy(g_s.at[src_v.at[j + 2]], r0, gs0)
            pltpu.sync_copy(r1, acc.at[dst_v.at[j + 1]], add=True)

    plsc.subcore_barrier()
    pltpu.sync_copy(acc.at[pl.ds(s * RPT, RPT)],
                    out_hbm.at[pl.ds(s * RPT, RPT), pl.ds(c * DH, DH)])



_R = 1024


def _dinv_col(cnt_blk):
    return lax.rsqrt(cnt_blk[0, :, 0:1] + cnt_blk[1, :, 0:1] + 1.0)


def _layer1_body(x_ref, w_ref, cnt_ref, g_ref):
    h = jnp.dot(x_ref[...], w_ref[...], preferred_element_type=jnp.float32)
    g_ref[...] = _dinv_col(cnt_ref[...]) * h


def _tc_layer1(x, w, cnt):
    return pl.pallas_call(
        _layer1_body,
        grid=(NPAD // _R,),
        in_specs=[
            pl.BlockSpec((_R, D), lambda r: (r, 0)),
            pl.BlockSpec((D, D), lambda r: (0, 0)),
            pl.BlockSpec((NC, _R, L), lambda r: (0, r, 0)),
        ],
        out_specs=pl.BlockSpec((_R, D), lambda r: (r, 0)),
        out_shape=jax.ShapeDtypeStruct((NPAD, D), jnp.float32),
    )(x, w, cnt)


def _mid_body(p_ref, g_ref, cnt_ref, b_ref, w_ref, out_ref):
    dinv = _dinv_col(cnt_ref[...])
    x2 = jnp.maximum(dinv * (p_ref[...] + g_ref[...]) + b_ref[...], 0.0)
    h2 = jnp.dot(x2, w_ref[...], preferred_element_type=jnp.float32)
    out_ref[...] = dinv * h2


def _tc_mid(p, g, cnt, b, w):
    return pl.pallas_call(
        _mid_body,
        grid=(NPAD // _R,),
        in_specs=[
            pl.BlockSpec((_R, D), lambda r: (r, 0)),
            pl.BlockSpec((_R, D), lambda r: (r, 0)),
            pl.BlockSpec((NC, _R, L), lambda r: (0, r, 0)),
            pl.BlockSpec((1, D), lambda r: (0, 0)),
            pl.BlockSpec((D, D), lambda r: (0, 0)),
        ],
        out_specs=pl.BlockSpec((_R, D), lambda r: (r, 0)),
        out_shape=jax.ShapeDtypeStruct((NPAD, D), jnp.float32),
    )(p, g, cnt, b, w)


def _out_body(p_ref, g_ref, cnt_ref, b_ref, out_ref):
    dinv = _dinv_col(cnt_ref[...])
    out_ref[...] = dinv * (p_ref[...] + g_ref[...]) + b_ref[...]


def _tc_out(p, g, cnt, b):
    return pl.pallas_call(
        _out_body,
        grid=(NPAD // _R,),
        in_specs=[
            pl.BlockSpec((_R, D), lambda r: (r, 0)),
            pl.BlockSpec((_R, D), lambda r: (r, 0)),
            pl.BlockSpec((NC, _R, L), lambda r: (0, r, 0)),
            pl.BlockSpec((1, D), lambda r: (0, 0)),
        ],
        out_specs=pl.BlockSpec((_R, D), lambda r: (r, 0)),
        out_shape=jax.ShapeDtypeStruct((N, D), jnp.float32),
    )(p, g, cnt, b)



def kernel(x, edge_index, W1, b1, W2, b2):
    src = edge_index[0].astype(jnp.int32)
    dst = edge_index[1].astype(jnp.int32)
    pad_e = EPAD - E
    src_p = jnp.concatenate(
        [src, jnp.zeros((pad_e,), jnp.int32)]).reshape(NS, K2, C)
    dst_p = jnp.concatenate(
        [dst, jnp.full((pad_e,), N, jnp.int32)]).reshape(NS, K2, C)

    x_p = jnp.pad(x, ((0, NPAD - N), (0, 0)))
    b1r = b1.reshape(1, D)
    b2r = b2.reshape(1, D)

    cnt = _sc_count(dst_p)

    g1 = _tc_layer1(x_p, W1, cnt)
    p1 = _sc_aggregate(g1, src_p, dst_p)
    g2 = _tc_mid(p1, g1, cnt, b1r, W2)
    p2 = _sc_aggregate(g2, src_p, dst_p)
    return _tc_out(p2, g2, cnt, b2r)

# --- scband reference (transcript-rebuilt; emitter-appended) ---
"""Pipeline reference for scband-gnnrecommender-87514253623723 (READ-ONLY COPY).

The authoritative reference and input builder live on the scoring server;
editing this copy changes nothing except your own understanding.
"""

import jax, jax.numpy as jnp
import numpy as np

N_NODES = 10000
N_EDGES = 320000
D = 128


def setup_inputs(seed: int = 0) -> dict:
    key = jax.random.key(seed)
    k1, k2, k3, k4, k5, k6 = jax.random.split(key, 6)
    x = jax.random.normal(k1, (N_NODES, D), dtype=jnp.float32)
    edge_index = jax.random.randint(k2, (2, N_EDGES), 0, N_NODES, dtype=jnp.int64)
    # GCNConv params: lin weight (no bias in lin) + separate bias, two layers
    scale = 1.0 / np.sqrt(D)
    W1 = jax.random.uniform(k3, (D, D), dtype=jnp.float32, minval=-scale, maxval=scale)
    b1 = jnp.zeros((D,), dtype=jnp.float32)
    W2 = jax.random.uniform(k4, (D, D), dtype=jnp.float32, minval=-scale, maxval=scale)
    b2 = jnp.zeros((D,), dtype=jnp.float32)
    return {"x": x, "edge_index": edge_index, "W1": W1, "b1": b1, "W2": W2, "b2": b2}


def _gcn_conv(x, edge_index, W, b):
    # Faithful PyG GCNConv: add self-loops, symmetric normalization, XW then aggregate, +bias
    n = x.shape[0]
    h = x @ W
    loop = jnp.arange(n, dtype=edge_index.dtype)
    src = jnp.concatenate([edge_index[0], loop])
    dst = jnp.concatenate([edge_index[1], loop])
    ones = jnp.ones(src.shape[0], dtype=x.dtype)
    deg = jax.ops.segment_sum(ones, dst, num_segments=n)
    deg_inv_sqrt = jnp.where(deg > 0, jax.lax.rsqrt(deg), 0.0)
    norm = deg_inv_sqrt[src] * deg_inv_sqrt[dst]
    msg = h[src] * norm[:, None]
    out = jax.ops.segment_sum(msg, dst, num_segments=n)
    return out + b


def reference(x, edge_index, W1, b1, W2, b2):
    h = _gcn_conv(x, edge_index, W1, b1)
    h = jax.nn.relu(h)
    out = _gcn_conv(h, edge_index, W2, b2)
    return out

if __name__ == "__main__":
    import jax
    _d = setup_inputs()
    print(jax.jit(kernel)(*tuple(_d.values())))

</pallas_src>

<mosaic_0001>
#map = affine_map<(d0, d1) -> (0, 0)>
#map1 = affine_map<(d0, d1) -> (0, 0, 0)>
module attributes {stable_mosaic.version = 14 : i64} {
  func.func @_sc_aggregate(%arg0: i32, %arg1: i32, %arg2: memref<10240x128xf32, #tpu.memory_space<hbm>>, %arg3: memref<16x160x128xi32, #tpu.memory_space<hbm>>, %arg4: memref<16x160x128xi32, #tpu.memory_space<hbm>>, %arg5: memref<10240x128xf32, #tpu.memory_space<hbm>>, %arg6: memref<40x128xi32, #tpu.memory_space<vmem>>, %arg7: memref<40x128xi32, #tpu.memory_space<vmem>>, %arg8: memref<128x64xf32, #tpu.memory_space<vmem>>, %arg9: memref<128x64xf32, #tpu.memory_space<vmem>>, %arg10: memref<10240x64xf32, #tpu.memory_space<vmem_shared>>, %arg11: memref<10240x64xf32, #tpu.memory_space<vmem_shared>>, %arg12: memref<!tpu.dma_semaphore, #tpu.memory_space<semaphore_mem>>, %arg13: memref<!tpu.dma_semaphore, #tpu.memory_space<semaphore_mem>>) attributes {dimension_semantics = [#tpu.dimension_semantics<core_parallel>, #tpu.dimension_semantics<subcore_parallel>], iteration_bounds = array<i64: 2, 16>, scalar_prefetch = 0 : i64, scratch_operands = 8 : i64, tpu.core_type = #tpu.core_type<sc_vector_subcore>, window_params = [{transform_indices = #map}, {transform_indices = #map1}, {transform_indices = #map1}, {transform_indices = #map}]} {
    %mul3A = arith.constant 640 : i32
    %mul3A_0 = arith.muli %arg1, %mul3A : i32
    %mul3A_1 = arith.constant 64 : i32
    %mul3A_2 = arith.muli %arg0, %mul3A_1 : i32
    %mul3A_3 = arith.constant 640 : i32
    %mul3A_4 = arith.muli %arg1, %mul3A_3 : i32
    "tpu.region"() ({
      %run_scoped3A = tpu.sem_alloc : memref<!tpu.dma_semaphore, #tpu.memory_space<semaphore_mem>>
      %dma_start3A = arith.constant 0 : i32
      %dma_start3A_26 = tpu.memref_slice %arg10[%mul3A_4, %dma_start3A] : memref<10240x64xf32, #tpu.memory_space<vmem_shared>> -> memref<640x64xf32, #tpu.memory_space<vmem_shared>>
      %dma_start3A_27 = tpu.memref_slice %arg2[%mul3A_0, %mul3A_2] : memref<10240x128xf32, #tpu.memory_space<hbm>> -> memref<640x64xf32, #tpu.memory_space<hbm>>
      tpu.enqueue_dma source(%dma_start3A_27 : memref<640x64xf32, #tpu.memory_space<hbm>>) target(%dma_start3A_26 : memref<640x64xf32, #tpu.memory_space<vmem_shared>>) target_semaphore(%run_scoped3A : memref<!tpu.dma_semaphore, #tpu.memory_space<semaphore_mem>>)
      %dma_wait3A = arith.constant 0 : i32
      %dma_wait3A_28 = tpu.memref_slice %arg10[%mul3A_4, %dma_wait3A] : memref<10240x64xf32, #tpu.memory_space<vmem_shared>> -> memref<640x64xf32, #tpu.memory_space<vmem_shared>>
      %dma_wait3A_29 = tpu.memref_slice %arg2[%mul3A_0, %mul3A_2] : memref<10240x128xf32, #tpu.memory_space<hbm>> -> memref<640x64xf32, #tpu.memory_space<hbm>>
      tpu.wait_dma2 semaphore(%run_scoped3A : memref<!tpu.dma_semaphore, #tpu.memory_space<semaphore_mem>>) src(%dma_wait3A_29 : memref<640x64xf32, #tpu.memory_space<hbm>>) dst(%dma_wait3A_28 : memref<640x64xf32, #tpu.memory_space<vmem_shared>>)
      tpu.yield
    }) : () -> ()
    %scan3A = arith.constant 0 : i32
    %scan3A_5 = arith.constant 128 : i32
    %scan3A_6 = arith.addi %scan3A, %scan3A_5 : i32
    %scan3A_7 = arith.constant 1 : i32
    scf.for %scan3A_26 = %scan3A to %scan3A_6 step %scan3A_7  : i32 {
      %mul3A_27 = arith.constant 1 : i32
      %mul3A_28 = arith.muli %scan3A_26, %mul3A_27 : i32
      %add3A = arith.constant 0 : i32
      %add3A_29 = arith.addi %add3A, %mul3A_28 : i32
      %scan3A_30 = arith.constant 0 : i32
      %scan3A_31 = arith.constant 4 : i32
      %scan3A_32 = arith.addi %scan3A_30, %scan3A_31 : i32
      %scan3A_33 = arith.constant 1 : i32
      scf.for %scan3A_35 = %scan3A_30 to %scan3A_32 step %scan3A_33  : i32 {
        %mul3A_36 = arith.constant 16 : i32
        %mul3A_37 = arith.muli %scan3A_35, %mul3A_36 : i32
        %add3A_38 = arith.constant 0 : i32
        %add3A_39 = arith.addi %add3A_38, %mul3A_37 : i32
        %broadcast_in_dim3A = arith.constant 0.000000e+00 : f32
        %broadcast_in_dim3A_40 = vector.broadcast %broadcast_in_dim3A : f32 to vector<16xf32>
        %swap3A = arith.index_cast %add3A_29 : i32 to index
        %swap3A_41 = arith.index_cast %add3A_39 : i32 to index
        %swap3A_42 = tpu.vector_load %arg8[%swap3A, %swap3A_41] {strides = array<i32>} : memref<128x64xf32, #tpu.memory_space<vmem>>, vector<1x16xf32>,
        %swap3A_43 = vector.shape_cast %swap3A_42 : vector<1x16xf32> to vector<16xf32>
        %swap3A_44 = vector.shape_cast %broadcast_in_dim3A_40 : vector<16xf32> to vector<1x16xf32>
        tpu.vector_store %arg8[%swap3A, %swap3A_41], %swap3A_44 {strides = array<i32>} : memref<128x64xf32, #tpu.memory_space<vmem>>, vector<1x16xf32>,
      }
      %scan3A_34 = arith.constant 4 : i32
    }
    %scan3A_8 = arith.constant 128 : i32
    %scan3A_9 = arith.constant 0 : i32
    %scan3A_10 = arith.constant 5 : i32
    %scan3A_11 = arith.addi %scan3A_9, %scan3A_10 : i32
    %scan3A_12 = arith.constant 1 : i32
    scf.for %scan3A_26 = %scan3A_9 to %scan3A_11 step %scan3A_12  : i32 {
      %mul3A_27 = arith.constant 128 : i32
      %mul3A_28 = arith.muli %scan3A_26, %mul3A_27 : i32
      %add3A = arith.constant 0 : i32
      %add3A_29 = arith.addi %add3A, %mul3A_28 : i32
      %mul3A_30 = arith.constant 640 : i32
      %mul3A_31 = arith.muli %arg1, %mul3A_30 : i32
      %add3A_32 = arith.addi %mul3A_31, %add3A_29 : i32
      "tpu.region"() ({
        %run_scoped3A = tpu.sem_alloc : memref<!tpu.dma_semaphore, #tpu.memory_space<semaphore_mem>>
        %dma_start3A = arith.constant 0 : i32
        %dma_start3A_33 = tpu.memref_slice %arg11[%add3A_32, %dma_start3A] : memref<10240x64xf32, #tpu.memory_space<vmem_shared>> -> memref<128x64xf32, #tpu.memory_space<vmem_shared>>
        %dma_start3A_34 = arith.constant 0 : i32
        %dma_start3A_35 = tpu.memref_slice %arg11[%add3A_32, %dma_start3A_34] : memref<10240x64xf32, #tpu.memory_space<vmem_shared>> -> memref<128x64xf32, #tpu.memory_space<vmem_shared>>
        tpu.enqueue_dma source(%arg8 : memref<128x64xf32, #tpu.memory_space<vmem>>) target(%dma_start3A_35 : memref<128x64xf32, #tpu.memory_space<vmem_shared>>) target_semaphore(%run_scoped3A : memref<!tpu.dma_semaphore, #tpu.memory_space<semaphore_mem>>)
        %dma_wait3A = arith.constant 0 : i32
        %dma_wait3A_36 = tpu.memref_slice %arg11[%add3A_32, %dma_wait3A] : memref<10240x64xf32, #tpu.memory_space<vmem_shared>> -> memref<128x64xf32, #tpu.memory_space<vmem_shared>>
        %dma_wait3A_37 = arith.constant 0 : i32
        %dma_wait3A_38 = tpu.memref_slice %arg11[%add3A_32, %dma_wait3A_37] : memref<10240x64xf32, #tpu.memory_space<vmem_shared>> -> memref<128x64xf32, #tpu.memory_space<vmem_shared>>
        tpu.wait_dma2 semaphore(%run_scoped3A : memref<!tpu.dma_semaphore, #tpu.memory_space<semaphore_mem>>) src(%arg8 : memref<128x64xf32, #tpu.memory_space<vmem>>) dst(%dma_wait3A_38 : memref<128x64xf32, #tpu.memory_space<vmem_shared>>)
        tpu.yield
      }) : () -> ()
    }
    %scan3A_13 = arith.constant 5 : i32
    %barrier3A = arith.constant 0 : index
    tpu.barrier barrier_id(%barrier3A)
    %scan3A_14 = arith.constant 0 : i32
    %scan3A_15 = arith.constant 4 : i32
    %scan3A_16 = arith.addi %scan3A_14, %scan3A_15 : i32
    %scan3A_17 = arith.constant 1 : i32
    scf.for %scan3A_26 = %scan3A_14 to %scan3A_16 step %scan3A_17  : i32 {
      %mul3A_27 = arith.constant 1 : i32
      %mul3A_28 = arith.muli %scan3A_26, %mul3A_27 : i32
      %add3A = arith.constant 0 : i32
      %add3A_29 = arith.addi %add3A, %mul3A_28 : i32
      %mul3A_30 = arith.constant 40 : i32
      %mul3A_31 = arith.muli %add3A_29, %mul3A_30 : i32
      "tpu.region"() ({
        %run_scoped3A = tpu.sem_alloc : memref<!tpu.dma_semaphore, #tpu.memory_space<semaphore_mem>>
        %dma_start3A_45 = arith.constant 0 : i32
        %dma_start3A_46 = arith.constant 0 : i32
        %dma_start3A_47 = tpu.memref_slice %arg3[%arg1, %dma_start3A_45, %dma_start3A_46] : memref<16x160x128xi32, #tpu.memory_space<hbm>> -> memref<1x160x128xi32, #tpu.memory_space<hbm>>
        %dma_start3A_48 = tpu.memref_squeeze %dma_start3A_47 : memref<1x160x128xi32, #tpu.memory_space<hbm>> -> memref<160x128xi32, #tpu.memory_space<hbm>>
        %dma_start3A_49 = arith.constant 0 : i32
        %dma_start3A_50 = tpu.memref_slice %dma_start3A_48[%mul3A_31, %dma_start3A_49] : memref<160x128xi32, #tpu.memory_space<hbm>> -> memref<40x128xi32, #tpu.memory_space<hbm>>
        %dma_start3A_51 = arith.constant 0 : i32
        %dma_start3A_52 = arith.constant 0 : i32
        %dma_start3A_53 = tpu.memref_slice %arg3[%arg1, %dma_start3A_51, %dma_start3A_52] : memref<16x160x128xi32, #tpu.memory_space<hbm>> -> memref<1x160x128xi32, #tpu.memory_space<hbm>>
        %dma_start3A_54 = tpu.memref_squeeze %dma_start3A_53 : memref<1x160x128xi32, #tpu.memory_space<hbm>> -> memref<160x128xi32, #tpu.memory_space<hbm>>
        %dma_start3A_55 = arith.constant 0 : i32
        %dma_start3A_56 = tpu.memref_slice %dma_start3A_54[%mul3A_31, %dma_start3A_55] : memref<160x128xi32, #tpu.memory_space<hbm>> -> memref<40x128xi32, #tpu.memory_space<hbm>>
        tpu.enqueue_dma source(%dma_start3A_56 : memref<40x128xi32, #tpu.memory_space<hbm>>) target(%arg6 : memref<40x128xi32, #tpu.memory_space<vmem>>) target_semaphore(%run_scoped3A : memref<!tpu.dma_semaphore, #tpu.memory_space<semaphore_mem>>)
        %dma_wait3A = arith.constant 0 : i32
        %dma_wait3A_57 = arith.constant 0 : i32
        %dma_wait3A_58 = tpu.memref_slice %arg3[%arg1, %dma_wait3A, %dma_wait3A_57] : memref<16x160x128xi32, #tpu.memory_space<hbm>> -> memref<1x160x128xi32, #tpu.memory_space<hbm>>
        %dma_wait3A_59 = tpu.memref_squeeze %dma_wait3A_58 : memref<1x160x128xi32, #tpu.memory_space<hbm>> -> memref<160x128xi32, #tpu.memory_space<hbm>>
        %dma_wait3A_60 = arith.constant 0 : i32
        %dma_wait3A_61 = tpu.memref_slice %dma_wait3A_59[%mul3A_31, %dma_wait3A_60] : memref<160x128xi32, #tpu.memory_space<hbm>> -> memref<40x128xi32, #tpu.memory_space<hbm>>
        %dma_wait3A_62 = arith.constant 0 : i32
        %dma_wait3A_63 = arith.constant 0 : i32
        %dma_wait3A_64 = tpu.memref_slice %arg3[%arg1, %dma_wait3A_62, %dma_wait3A_63] : memref<16x160x128xi32, #tpu.memory_space<hbm>> -> memref<1x160x128xi32, #tpu.memory_space<hbm>>
        %dma_wait3A_65 = tpu.memref_squeeze %dma_wait3A_64 : memref<1x160x128xi32, #tpu.memory_space<hbm>> -> memref<160x128xi32, #tpu.memory_space<hbm>>
        %dma_wait3A_66 = arith.constant 0 : i32
        %dma_wait3A_67 = tpu.memref_slice %dma_wait3A_65[%mul3A_31, %dma_wait3A_66] : memref<160x128xi32, #tpu.memory_space<hbm>> -> memref<40x128xi32, #tpu.memory_space<hbm>>
        tpu.wait_dma2 semaphore(%run_scoped3A : memref<!tpu.dma_semaphore, #tpu.memory_space<semaphore_mem>>) src(%dma_wait3A_67 : memref<40x128xi32, #tpu.memory_space<hbm>>) dst(%arg6 : memref<40x128xi32, #tpu.memory_space<vmem>>)
        tpu.yield
      }) : () -> ()
      %mul3A_32 = arith.constant 40 : i32
      %mul3A_33 = arith.muli %add3A_29, %mul3A_32 : i32
      "tpu.region"() ({
        %run_scoped3A = tpu.sem_alloc : memref<!tpu.dma_semaphore, #tpu.memory_space<semaphore_mem>>
        %dma_start3A_45 = arith.constant 0 : i32
        %dma_start3A_46 = arith.constant 0 : i32
        %dma_start3A_47 = tpu.memref_slice %arg4[%arg1, %dma_start3A_45, %dma_start3A_46] : memref<16x160x128xi32, #tpu.memory_space<hbm>> -> memref<1x160x128xi32, #tpu.memory_space<hbm>>
        %dma_start3A_48 = tpu.memref_squeeze %dma_start3A_47 : memref<1x160x128xi32, #tpu.memory_space<hbm>> -> memref<160x128xi32, #tpu.memory_space<hbm>>
        %dma_start3A_49 = arith.constant 0 : i32
        %dma_start3A_50 = tpu.memref_slice %dma_start3A_48[%mul3A_33, %dma_start3A_49] : memref<160x128xi32, #tpu.memory_space<hbm>> -> memref<40x128xi32, #tpu.memory_space<hbm>>
        %dma_start3A_51 = arith.constant 0 : i32
        %dma_start3A_52 = arith.constant 0 : i32
        %dma_start3A_53 = tpu.memref_slice %arg4[%arg1, %dma_start3A_51, %dma_start3A_52] : memref<16x160x128xi32, #tpu.memory_space<hbm>> -> memref<1x160x128xi32, #tpu.memory_space<hbm>>
        %dma_start3A_54 = tpu.memref_squeeze %dma_start3A_53 : memref<1x160x128xi32, #tpu.memory_space<hbm>> -> memref<160x128xi32, #tpu.memory_space<hbm>>
        %dma_start3A_55 = arith.constant 0 : i32
        %dma_start3A_56 = tpu.memref_slice %dma_start3A_54[%mul3A_33, %dma_start3A_55] : memref<160x128xi32, #tpu.memory_space<hbm>> -> memref<40x128xi32, #tpu.memory_space<hbm>>
        tpu.enqueue_dma source(%dma_start3A_56 : memref<40x128xi32, #tpu.memory_space<hbm>>) target(%arg7 : memref<40x128xi32, #tpu.memory_space<vmem>>) target_semaphore(%run_scoped3A : memref<!tpu.dma_semaphore, #tpu.memory_space<semaphore_mem>>)
        %dma_wait3A = arith.constant 0 : i32
        %dma_wait3A_57 = arith.constant 0 : i32
        %dma_wait3A_58 = tpu.memref_slice %arg4[%arg1, %dma_wait3A, %dma_wait3A_57] : memref<16x160x128xi32, #tpu.memory_space<hbm>> -> memref<1x160x128xi32, #tpu.memory_space<hbm>>
        %dma_wait3A_59 = tpu.memref_squeeze %dma_wait3A_58 : memref<1x160x128xi32, #tpu.memory_space<hbm>> -> memref<160x128xi32, #tpu.memory_space<hbm>>
        %dma_wait3A_60 = arith.constant 0 : i32
        %dma_wait3A_61 = tpu.memref_slice %dma_wait3A_59[%mul3A_33, %dma_wait3A_60] : memref<160x128xi32, #tpu.memory_space<hbm>> -> memref<40x128xi32, #tpu.memory_space<hbm>>
        %dma_wait3A_62 = arith.constant 0 : i32
        %dma_wait3A_63 = arith.constant 0 : i32
        %dma_wait3A_64 = tpu.memref_slice %arg4[%arg1, %dma_wait3A_62, %dma_wait3A_63] : memref<16x160x128xi32, #tpu.memory_space<hbm>> -> memref<1x160x128xi32, #tpu.memory_space<hbm>>
        %dma_wait3A_65 = tpu.memref_squeeze %dma_wait3A_64 : memref<1x160x128xi32, #tpu.memory_space<hbm>> -> memref<160x128xi32, #tpu.memory_space<hbm>>
        %dma_wait3A_66 = arith.constant 0 : i32
        %dma_wait3A_67 = tpu.memref_slice %dma_wait3A_65[%mul3A_33, %dma_wait3A_66] : memref<160x128xi32, #tpu.memory_space<hbm>> -> memref<40x128xi32, #tpu.memory_space<hbm>>
        tpu.wait_dma2 semaphore(%run_scoped3A : memref<!tpu.dma_semaphore, #tpu.memory_space<semaphore_mem>>) src(%dma_wait3A_67 : memref<40x128xi32, #tpu.memory_space<hbm>>) dst(%arg7 : memref<40x128xi32, #tpu.memory_space<vmem>>)
        tpu.yield
      }) : () -> ()
      %dma_start3A = arith.constant 0 : i32
      %dma_start3A_34 = arith.constant 0 : i32
      %dma_start3A_35 = tpu.memref_slice %arg6[%dma_start3A, %dma_start3A_34] : memref<40x128xi32, #tpu.memory_space<vmem>> -> memref<1x128xi32, #tpu.memory_space<vmem>>
      %dma_start3A_36 = tpu.memref_squeeze %dma_start3A_35 : memref<1x128xi32, #tpu.memory_space<vmem>> -> memref<128xi32, #tpu.memory_space<vmem>>
      %dma_start3A_37 = arith.constant 0 : i32
      %dma_start3A_38 = arith.constant 0 : i32
      %dma_start3A_39 = tpu.memref_slice %arg10[%dma_start3A_37, %dma_start3A_38] : memref<10240x64xf32, #tpu.memory_space<vmem_shared>> -> memref<10240x64xf32, #tpu.memory_space<vmem_shared>>
      tpu.enqueue_indirect_dma source(%dma_start3A_39 : memref<10240x64xf32, #tpu.memory_space<vmem_shared>>) target(%arg8 : memref<128x64xf32, #tpu.memory_space<vmem>>) offsets(%dma_start3A_36 : memref<128xi32, #tpu.memory_space<vmem>>) semaphore(%arg12 : memref<!tpu.dma_semaphore, #tpu.memory_space<semaphore_mem>>)
      %scan3A_40 = arith.constant 0 : i32
      %scan3A_41 = arith.constant 20 : i32
      %scan3A_42 = arith.addi %scan3A_40, %scan3A_41 : i32
      %scan3A_43 = arith.constant 1 : i32
      scf.for %scan3A_45 = %scan3A_40 to %scan3A_42 step %scan3A_43  : i32 {
        %mul3A_46 = arith.constant 2 : i32
        %mul3A_47 = arith.muli %scan3A_45, %mul3A_46 : i32
        %add3A_48 = arith.constant 0 : i32
        %add3A_49 = arith.addi %add3A_48, %mul3A_47 : i32
        %dma_wait3A = arith.constant 0 : i32
        %dma_wait3A_50 = tpu.memref_slice %arg6[%add3A_49, %dma_wait3A] : memref<40x128xi32, #tpu.memory_space<vmem>> -> memref<1x128xi32, #tpu.memory_space<vmem>>
        %dma_wait3A_51 = tpu.memref_squeeze %dma_wait3A_50 : memref<1x128xi32, #tpu.memory_space<vmem>> -> memref<128xi32, #tpu.memory_space<vmem>>
        %dma_wait3A_52 = arith.constant 0 : i32
        %dma_wait3A_53 = arith.constant 0 : i32
        %dma_wait3A_54 = tpu.memref_slice %arg10[%dma_wait3A_52, %dma_wait3A_53] : memref<10240x64xf32, #tpu.memory_space<vmem_shared>> -> memref<10240x64xf32, #tpu.memory_space<vmem_shared>>
        tpu.wait_indirect_dma semaphore(%arg12 : memref<!tpu.dma_semaphore, #tpu.memory_space<semaphore_mem>>) src(%dma_wait3A_54 : memref<10240x64xf32, #tpu.memory_space<vmem_shared>>) dst(%arg8 : memref<128x64xf32, #tpu.memory_space<vmem>>)
        %add3A_55 = arith.constant 1 : i32
        %add3A_56 = arith.addi %add3A_49, %add3A_55 : i32
        %dma_start3A_57 = arith.constant 0 : i32
        %dma_start3A_58 = tpu.memref_slice %arg6[%add3A_56, %dma_start3A_57] : memref<40x128xi32, #tpu.memory_space<vmem>> -> memref<1x128xi32, #tpu.memory_space<vmem>>
        %dma_start3A_59 = tpu.memref_squeeze %dma_start3A_58 : memref<1x128xi32, #tpu.memory_space<vmem>> -> memref<128xi32, #tpu.memory_space<vmem>>
        %dma_start3A_60 = arith.constant 0 : i32
        %dma_start3A_61 = arith.constant 0 : i32
        %dma_start3A_62 = tpu.memref_slice %arg10[%dma_start3A_60, %dma_start3A_61] : memref<10240x64xf32, #tpu.memory_space<vmem_shared>> -> memref<10240x64xf32, #tpu.memory_space<vmem_shared>>
        tpu.enqueue_indirect_dma source(%dma_start3A_62 : memref<10240x64xf32, #tpu.memory_space<vmem_shared>>) target(%arg9 : memref<128x64xf32, #tpu.memory_space<vmem>>) offsets(%dma_start3A_59 : memref<128xi32, #tpu.memory_space<vmem>>) semaphore(%arg13 : memref<!tpu.dma_semaphore, #tpu.memory_space<semaphore_mem>>)
        "tpu.region"() ({
          %run_scoped3A = tpu.sem_alloc : memref<!tpu.dma_semaphore, #tpu.memory_space<semaphore_mem>>
          %dma_start3A_77 = arith.constant 0 : i32
          %dma_start3A_78 = tpu.memref_slice %arg7[%add3A_49, %dma_start3A_77] : memref<40x128xi32, #tpu.memory_space<vmem>> -> memref<1x128xi32, #tpu.memory_space<vmem>>
          %dma_start3A_79 = tpu.memref_squeeze %dma_start3A_78 : memref<1x128xi32, #tpu.memory_space<vmem>> -> memref<128xi32, #tpu.memory_space<vmem>>
          %dma_start3A_80 = arith.constant 0 : i32
          %dma_start3A_81 = arith.constant 0 : i32
          %dma_start3A_82 = tpu.memref_slice %arg11[%dma_start3A_80, %dma_start3A_81] : memref<10240x64xf32, #tpu.memory_space<vmem_shared>> -> memref<10240x64xf32, #tpu.memory_space<vmem_shared>>
          tpu.enqueue_indirect_dma source(%arg8 : memref<128x64xf32, #tpu.memory_space<vmem>>) target(%dma_start3A_82 : memref<10240x64xf32, #tpu.memory_space<vmem_shared>>) offsets(%dma_start3A_79 : memref<128xi32, #tpu.memory_space<vmem>>) semaphore(%run_scoped3A : memref<!tpu.dma_semaphore, #tpu.memory_space<semaphore_mem>>) {add = true}
          %dma_wait3A_83 = arith.constant 0 : i32
          %dma_wait3A_84 = tpu.memref_slice %arg7[%add3A_49, %dma_wait3A_83] : memref<40x128xi32, #tpu.memory_space<vmem>> -> memref<1x128xi32, #tpu.memory_space<vmem>>
          %dma_wait3A_85 = tpu.memref_squeeze %dma_wait3A_84 : memref<1x128xi32, #tpu.memory_space<vmem>> -> memref<128xi32, #tpu.memory_space<vmem>>
          %dma_wait3A_86 = arith.constant 0 : i32
          %dma_wait3A_87 = arith.constant 0 : i32
          %dma_wait3A_88 = tpu.memref_slice %arg11[%dma_wait3A_86, %dma_wait3A_87] : memref<10240x64xf32, #tpu.memory_space<vmem_shared>> -> memref<10240x64xf32, #tpu.memory_space<vmem_shared>>
          tpu.wait_indirect_dma semaphore(%run_scoped3A : memref<!tpu.dma_semaphore, #tpu.memory_space<semaphore_mem>>) src(%arg8 : memref<128x64xf32, #tpu.memory_space<vmem>>) dst(%dma_wait3A_88 : memref<10240x64xf32, #tpu.memory_space<vmem_shared>>)
          tpu.yield
        }) : () -> ()
        %add3A_63 = arith.constant 1 : i32
        %add3A_64 = arith.addi %add3A_49, %add3A_63 : i32
        %dma_wait3A_65 = arith.constant 0 : i32
        %dma_wait3A_66 = tpu.memref_slice %arg6[%add3A_64, %dma_wait3A_65] : memref<40x128xi32, #tpu.memory_space<vmem>> -> memref<1x128xi32, #tpu.memory_space<vmem>>
        %dma_wait3A_67 = tpu.memref_squeeze %dma_wait3A_66 : memref<1x128xi32, #tpu.memory_space<vmem>> -> memref<128xi32, #tpu.memory_space<vmem>>
        %dma_wait3A_68 = arith.constant 0 : i32
        %dma_wait3A_69 = arith.constant 0 : i32
        %dma_wait3A_70 = tpu.memref_slice %arg10[%dma_wait3A_68, %dma_wait3A_69] : memref<10240x64xf32, #tpu.memory_space<vmem_shared>> -> memref<10240x64xf32, #tpu.memory_space<vmem_shared>>
        tpu.wait_indirect_dma semaphore(%arg13 : memref<!tpu.dma_semaphore, #tpu.memory_space<semaphore_mem>>) src(%dma_wait3A_70 : memref<10240x64xf32, #tpu.memory_space<vmem_shared>>) dst(%arg9 : memref<128x64xf32, #tpu.memory_space<vmem>>)
        %add3A_71 = arith.constant 2 : i32
        %add3A_72 = arith.addi %add3A_49, %add3A_71 : i32
        %lt3A = arith.constant 40 : i32
        %lt3A_73 = arith.cmpi slt, %add3A_72, %lt3A : i32
        %convert_element_type3A = arith.extui %lt3A_73 : i1 to i32
        %cond3A = arith.constant 0 : i32
        %cond3A_74 = arith.cmpi ne, %convert_element_type3A, %cond3A : i32
        scf.if %cond3A_74 {
          %add3A_77 = arith.constant 2 : i32
          %add3A_78 = arith.addi %add3A_49, %add3A_77 : i32
          %dma_start3A_79 = arith.constant 0 : i32
          %dma_start3A_80 = tpu.memref_slice %arg6[%add3A_78, %dma_start3A_79] : memref<40x128xi32, #tpu.memory_space<vmem>> -> memref<1x128xi32, #tpu.memory_space<vmem>>
          %dma_start3A_81 = tpu.memref_squeeze %dma_start3A_80 : memref<1x128xi32, #tpu.memory_space<vmem>> -> memref<128xi32, #tpu.memory_space<vmem>>
          %dma_start3A_82 = arith.constant 0 : i32
          %dma_start3A_83 = arith.constant 0 : i32
          %dma_start3A_84 = tpu.memref_slice %arg10[%dma_start3A_82, %dma_start3A_83] : memref<10240x64xf32, #tpu.memory_space<vmem_shared>> -> memref<10240x64xf32, #tpu.memory_space<vmem_shared>>
          tpu.enqueue_indirect_dma source(%dma_start3A_84 : memref<10240x64xf32, #tpu.memory_space<vmem_shared>>) target(%arg8 : memref<128x64xf32, #tpu.memory_space<vmem>>) offsets(%dma_start3A_81 : memref<128xi32, #tpu.memory_space<vmem>>) semaphore(%arg12 : memref<!tpu.dma_semaphore, #tpu.memory_space<semaphore_mem>>)
        } else {
        }
        %add3A_75 = arith.constant 1 : i32
        %add3A_76 = arith.addi %add3A_49, %add3A_75 : i32
        "tpu.region"() ({
          %run_scoped3A = tpu.sem_alloc : memref<!tpu.dma_semaphore, #tpu.memory_space<semaphore_mem>>
          %dma_start3A_77 = arith.constant 0 : i32
          %dma_start3A_78 = tpu.memref_slice %arg7[%add3A_76, %dma_start3A_77] : memref<40x128xi32, #tpu.memory_space<vmem>> -> memref<1x128xi32, #tpu.memory_space<vmem>>
          %dma_start3A_79 = tpu.memref_squeeze %dma_start3A_78 : memref<1x128xi32, #tpu.memory_space<vmem>> -> memref<128xi32, #tpu.memory_space<vmem>>
          %dma_start3A_80 = arith.constant 0 : i32
          %dma_start3A_81 = arith.constant 0 : i32
          %dma_start3A_82 = tpu.memref_slice %arg11[%dma_start3A_80, %dma_start3A_81] : memref<10240x64xf32, #tpu.memory_space<vmem_shared>> -> memref<10240x64xf32, #tpu.memory_space<vmem_shared>>
          tpu.enqueue_indirect_dma source(%arg9 : memref<128x64xf32, #tpu.memory_space<vmem>>) target(%dma_start3A_82 : memref<10240x64xf32, #tpu.memory_space<vmem_shared>>) offsets(%dma_start3A_79 : memref<128xi32, #tpu.memory_space<vmem>>) semaphore(%run_scoped3A : memref<!tpu.dma_semaphore, #tpu.memory_space<semaphore_mem>>) {add = true}
          %dma_wait3A_83 = arith.constant 0 : i32
          %dma_wait3A_84 = tpu.memref_slice %arg7[%add3A_76, %dma_wait3A_83] : memref<40x128xi32, #tpu.memory_space<vmem>> -> memref<1x128xi32, #tpu.memory_space<vmem>>
          %dma_wait3A_85 = tpu.memref_squeeze %dma_wait3A_84 : memref<1x128xi32, #tpu.memory_space<vmem>> -> memref<128xi32, #tpu.memory_space<vmem>>
          %dma_wait3A_86 = arith.constant 0 : i32
          %dma_wait3A_87 = arith.constant 0 : i32
          %dma_wait3A_88 = tpu.memref_slice %arg11[%dma_wait3A_86, %dma_wait3A_87] : memref<10240x64xf32, #tpu.memory_space<vmem_shared>> -> memref<10240x64xf32, #tpu.memory_space<vmem_shared>>
          tpu.wait_indirect_dma semaphore(%run_scoped3A : memref<!tpu.dma_semaphore, #tpu.memory_space<semaphore_mem>>) src(%arg9 : memref<128x64xf32, #tpu.memory_space<vmem>>) dst(%dma_wait3A_88 : memref<10240x64xf32, #tpu.memory_space<vmem_shared>>)
          tpu.yield
        }) : () -> ()
      }
      %scan3A_44 = arith.constant 20 : i32
    }
    %scan3A_18 = arith.constant 4 : i32
    %barrier3A_19 = arith.constant 0 : index
    tpu.barrier barrier_id(%barrier3A_19)
    %mul3A_20 = arith.constant 640 : i32
    %mul3A_21 = arith.muli %arg1, %mul3A_20 : i32
    %mul3A_22 = arith.constant 640 : i32
    %mul3A_23 = arith.muli %arg1, %mul3A_22 : i32
    %mul3A_24 = arith.constant 64 : i32
    %mul3A_25 = arith.muli %arg0, %mul3A_24 : i32
    "tpu.region"() ({
      %run_scoped3A = tpu.sem_alloc : memref<!tpu.dma_semaphore, #tpu.memory_space<semaphore_mem>>
      %dma_start3A = tpu.memref_slice %arg5[%mul3A_23, %mul3A_25] : memref<10240x128xf32, #tpu.memory_space<hbm>> -> memref<640x64xf32, #tpu.memory_space<hbm>>
      %dma_start3A_26 = arith.constant 0 : i32
      %dma_start3A_27 = tpu.memref_slice %arg11[%mul3A_21, %dma_start3A_26] : memref<10240x64xf32, #tpu.memory_space<vmem_shared>> -> memref<640x64xf32, #tpu.memory_space<vmem_shared>>
      tpu.enqueue_dma source(%dma_start3A_27 : memref<640x64xf32, #tpu.memory_space<vmem_shared>>) target(%dma_start3A : memref<640x64xf32, #tpu.memory_space<hbm>>) target_semaphore(%run_scoped3A : memref<!tpu.dma_semaphore, #tpu.memory_space<semaphore_mem>>)
      %dma_wait3A = tpu.memref_slice %arg5[%mul3A_23, %mul3A_25] : memref<10240x128xf32, #tpu.memory_space<hbm>> -> memref<640x64xf32, #tpu.memory_space<hbm>>
      %dma_wait3A_28 = arith.constant 0 : i32
      %dma_wait3A_29 = tpu.memref_slice %arg11[%mul3A_21, %dma_wait3A_28] : memref<10240x64xf32, #tpu.memory_space<vmem_shared>> -> memref<640x64xf32, #tpu.memory_space<vmem_shared>>
      tpu.wait_dma2 semaphore(%run_scoped3A : memref<!tpu.dma_semaphore, #tpu.memory_space<semaphore_mem>>) src(%dma_wait3A_29 : memref<640x64xf32, #tpu.memory_space<vmem_shared>>) dst(%dma_wait3A : memref<640x64xf32, #tpu.memory_space<hbm>>)
      tpu.yield
    }) : () -> ()
    return
  }
}

#map = affine_map<(d0, d1) -> (0, 0, 0)>
module attributes {stable_mosaic.version = 14 : i64} {
  func.func @_sc_count(%arg0: i32, %arg1: i32, %arg2: memref<16x160x128xi32, #tpu.memory_space<hbm>>, %arg3: memref<2x10240x16xf32, #tpu.memory_space<hbm>>, %arg4: memref<80x128xi32, #tpu.memory_space<vmem>>, %arg5: memref<128x16xf32, #tpu.memory_space<vmem>>, %arg6: memref<128x16xf32, #tpu.memory_space<vmem>>, %arg7: memref<10240x16xf32, #tpu.memory_space<vmem_shared>>) attributes {dimension_semantics = [#tpu.dimension_semantics<core_parallel>, #tpu.dimension_semantics<subcore_parallel>], iteration_bounds = array<i64: 2, 16>, scalar_prefetch = 0 : i64, scratch_operands = 4 : i64, tpu.core_type = #tpu.core_type<sc_vector_subcore>, window_params = [{transform_indices = #map}, {transform_indices = #map}]} {
    %scan3A = arith.constant 0 : i32
    %scan3A_0 = arith.constant 128 : i32
    %scan3A_1 = arith.addi %scan3A, %scan3A_0 : i32
    %scan3A_2 = arith.constant 1 : i32
    scf.for %scan3A_25 = %scan3A to %scan3A_1 step %scan3A_2  : i32 {
      %mul3A_26 = arith.constant 1 : i32
      %mul3A_27 = arith.muli %scan3A_25, %mul3A_26 : i32
      %add3A = arith.constant 0 : i32
      %add3A_28 = arith.addi %add3A, %mul3A_27 : i32
      %broadcast_in_dim3A = arith.constant 1.000000e+00 : f32
      %broadcast_in_dim3A_29 = vector.broadcast %broadcast_in_dim3A : f32 to vector<16xf32>
      %swap3A = arith.index_cast %add3A_28 : i32 to index
      %swap3A_30 = arith.constant 0 : index
      %swap3A_31 = tpu.vector_load %arg5[%swap3A, %swap3A_30] {strides = array<i32>} : memref<128x16xf32, #tpu.memory_space<vmem>>, vector<1x16xf32>,
      %swap3A_32 = vector.shape_cast %swap3A_31 : vector<1x16xf32> to vector<16xf32>
      %swap3A_33 = vector.shape_cast %broadcast_in_dim3A_29 : vector<16xf32> to vector<1x16xf32>
      tpu.vector_store %arg5[%swap3A, %swap3A_30], %swap3A_33 {strides = array<i32>} : memref<128x16xf32, #tpu.memory_space<vmem>>, vector<1x16xf32>,
    }
    %scan3A_3 = arith.constant 128 : i32
    %scan3A_4 = arith.constant 0 : i32
    %scan3A_5 = arith.constant 128 : i32
    %scan3A_6 = arith.addi %scan3A_4, %scan3A_5 : i32
    %scan3A_7 = arith.constant 1 : i32
    scf.for %scan3A_25 = %scan3A_4 to %scan3A_6 step %scan3A_7  : i32 {
      %mul3A_26 = arith.constant 1 : i32
      %mul3A_27 = arith.muli %scan3A_25, %mul3A_26 : i32
      %add3A = arith.constant 0 : i32
      %add3A_28 = arith.addi %add3A, %mul3A_27 : i32
      %scan3A_29 = arith.constant 0 : i32
      %mul3A_30 = arith.constant 16 : i32
      %mul3A_31 = arith.muli %scan3A_29, %mul3A_30 : i32
      %add3A_32 = arith.constant 0 : i32
      %add3A_33 = arith.addi %add3A_32, %mul3A_31 : i32
      %broadcast_in_dim3A = arith.constant 0.000000e+00 : f32
      %broadcast_in_dim3A_34 = vector.broadcast %broadcast_in_dim3A : f32 to vector<16xf32>
      %swap3A = arith.index_cast %add3A_28 : i32 to index
      %swap3A_35 = arith.index_cast %add3A_33 : i32 to index
      %swap3A_36 = tpu.vector_load %arg6[%swap3A, %swap3A_35] {strides = array<i32>} : memref<128x16xf32, #tpu.memory_space<vmem>>, vector<1x16xf32>,
      %swap3A_37 = vector.shape_cast %swap3A_36 : vector<1x16xf32> to vector<16xf32>
      %swap3A_38 = vector.shape_cast %broadcast_in_dim3A_34 : vector<16xf32> to vector<1x16xf32>
      tpu.vector_store %arg6[%swap3A, %swap3A_35], %swap3A_38 {strides = array<i32>} : memref<128x16xf32, #tpu.memory_space<vmem>>, vector<1x16xf32>,
      %scan3A_39 = arith.constant 1 : i32
    }
    %scan3A_8 = arith.constant 128 : i32
    %scan3A_9 = arith.constant 0 : i32
    %scan3A_10 = arith.constant 5 : i32
    %scan3A_11 = arith.addi %scan3A_9, %scan3A_10 : i32
    %scan3A_12 = arith.constant 1 : i32
    scf.for %scan3A_25 = %scan3A_9 to %scan3A_11 step %scan3A_12  : i32 {
      %mul3A_26 = arith.constant 128 : i32
      %mul3A_27 = arith.muli %scan3A_25, %mul3A_26 : i32
      %add3A = arith.constant 0 : i32
      %add3A_28 = arith.addi %add3A, %mul3A_27 : i32
      %mul3A_29 = arith.constant 640 : i32
      %mul3A_30 = arith.muli %arg1, %mul3A_29 : i32
      %add3A_31 = arith.addi %mul3A_30, %add3A_28 : i32
      "tpu.region"() ({
        %run_scoped3A = tpu.sem_alloc : memref<!tpu.dma_semaphore, #tpu.memory_space<semaphore_mem>>
        %dma_start3A = arith.constant 0 : i32
        %dma_start3A_32 = tpu.memref_slice %arg7[%add3A_31, %dma_start3A] : memref<10240x16xf32, #tpu.memory_space<vmem_shared>> -> memref<128x16xf32, #tpu.memory_space<vmem_shared>>
        %dma_start3A_33 = arith.constant 0 : i32
        %dma_start3A_34 = tpu.memref_slice %arg7[%add3A_31, %dma_start3A_33] : memref<10240x16xf32, #tpu.memory_space<vmem_shared>> -> memref<128x16xf32, #tpu.memory_space<vmem_shared>>
        tpu.enqueue_dma source(%arg6 : memref<128x16xf32, #tpu.memory_space<vmem>>) target(%dma_start3A_34 : memref<128x16xf32, #tpu.memory_space<vmem_shared>>) target_semaphore(%run_scoped3A : memref<!tpu.dma_semaphore, #tpu.memory_space<semaphore_mem>>)
        %dma_wait3A = arith.constant 0 : i32
        %dma_wait3A_35 = tpu.memref_slice %arg7[%add3A_31, %dma_wait3A] : memref<10240x16xf32, #tpu.memory_space<vmem_shared>> -> memref<128x16xf32, #tpu.memory_space<vmem_shared>>
        %dma_wait3A_36 = arith.constant 0 : i32
        %dma_wait3A_37 = tpu.memref_slice %arg7[%add3A_31, %dma_wait3A_36] : memref<10240x16xf32, #tpu.memory_space<vmem_shared>> -> memref<128x16xf32, #tpu.memory_space<vmem_shared>>
        tpu.wait_dma2 semaphore(%run_scoped3A : memref<!tpu.dma_semaphore, #tpu.memory_space<semaphore_mem>>) src(%arg6 : memref<128x16xf32, #tpu.memory_space<vmem>>) dst(%dma_wait3A_37 : memref<128x16xf32, #tpu.memory_space<vmem_shared>>)
        tpu.yield
      }) : () -> ()
    }
    %scan3A_13 = arith.constant 5 : i32
    %barrier3A = arith.constant 0 : index
    tpu.barrier barrier_id(%barrier3A)
    %mul3A = arith.constant 80 : i32
    %mul3A_14 = arith.muli %arg0, %mul3A : i32
    "tpu.region"() ({
      %run_scoped3A = tpu.sem_alloc : memref<!tpu.dma_semaphore, #tpu.memory_space<semaphore_mem>>
      %dma_start3A = arith.constant 0 : i32
      %dma_start3A_25 = arith.constant 0 : i32
      %dma_start3A_26 = tpu.memref_slice %arg2[%arg1, %dma_start3A, %dma_start3A_25] : memref<16x160x128xi32, #tpu.memory_space<hbm>> -> memref<1x160x128xi32, #tpu.memory_space<hbm>>
      %dma_start3A_27 = tpu.memref_squeeze %dma_start3A_26 : memref<1x160x128xi32, #tpu.memory_space<hbm>> -> memref<160x128xi32, #tpu.memory_space<hbm>>
      %dma_start3A_28 = arith.constant 0 : i32
      %dma_start3A_29 = tpu.memref_slice %dma_start3A_27[%mul3A_14, %dma_start3A_28] : memref<160x128xi32, #tpu.memory_space<hbm>> -> memref<80x128xi32, #tpu.memory_space<hbm>>
      %dma_start3A_30 = arith.constant 0 : i32
      %dma_start3A_31 = arith.constant 0 : i32
      %dma_start3A_32 = tpu.memref_slice %arg2[%arg1, %dma_start3A_30, %dma_start3A_31] : memref<16x160x128xi32, #tpu.memory_space<hbm>> -> memref<1x160x128xi32, #tpu.memory_space<hbm>>
      %dma_start3A_33 = tpu.memref_squeeze %dma_start3A_32 : memref<1x160x128xi32, #tpu.memory_space<hbm>> -> memref<160x128xi32, #tpu.memory_space<hbm>>
      %dma_start3A_34 = arith.constant 0 : i32
      %dma_start3A_35 = tpu.memref_slice %dma_start3A_33[%mul3A_14, %dma_start3A_34] : memref<160x128xi32, #tpu.memory_space<hbm>> -> memref<80x128xi32, #tpu.memory_space<hbm>>
      tpu.enqueue_dma source(%dma_start3A_35 : memref<80x128xi32, #tpu.memory_space<hbm>>) target(%arg4 : memref<80x128xi32, #tpu.memory_space<vmem>>) target_semaphore(%run_scoped3A : memref<!tpu.dma_semaphore, #tpu.memory_space<semaphore_mem>>)
      %dma_wait3A = arith.constant 0 : i32
      %dma_wait3A_36 = arith.constant 0 : i32
      %dma_wait3A_37 = tpu.memref_slice %arg2[%arg1, %dma_wait3A, %dma_wait3A_36] : memref<16x160x128xi32, #tpu.memory_space<hbm>> -> memref<1x160x128xi32, #tpu.memory_space<hbm>>
      %dma_wait3A_38 = tpu.memref_squeeze %dma_wait3A_37 : memref<1x160x128xi32, #tpu.memory_space<hbm>> -> memref<160x128xi32, #tpu.memory_space<hbm>>
      %dma_wait3A_39 = arith.constant 0 : i32
      %dma_wait3A_40 = tpu.memref_slice %dma_wait3A_38[%mul3A_14, %dma_wait3A_39] : memref<160x128xi32, #tpu.memory_space<hbm>> -> memref<80x128xi32, #tpu.memory_space<hbm>>
      %dma_wait3A_41 = arith.constant 0 : i32
      %dma_wait3A_42 = arith.constant 0 : i32
      %dma_wait3A_43 = tpu.memref_slice %arg2[%arg1, %dma_wait3A_41, %dma_wait3A_42] : memref<16x160x128xi32, #tpu.memory_space<hbm>> -> memref<1x160x128xi32, #tpu.memory_space<hbm>>
      %dma_wait3A_44 = tpu.memref_squeeze %dma_wait3A_43 : memref<1x160x128xi32, #tpu.memory_space<hbm>> -> memref<160x128xi32, #tpu.memory_space<hbm>>
      %dma_wait3A_45 = arith.constant 0 : i32
      %dma_wait3A_46 = tpu.memref_slice %dma_wait3A_44[%mul3A_14, %dma_wait3A_45] : memref<160x128xi32, #tpu.memory_space<hbm>> -> memref<80x128xi32, #tpu.memory_space<hbm>>
      tpu.wait_dma2 semaphore(%run_scoped3A : memref<!tpu.dma_semaphore, #tpu.memory_space<semaphore_mem>>) src(%dma_wait3A_46 : memref<80x128xi32, #tpu.memory_space<hbm>>) dst(%arg4 : memref<80x128xi32, #tpu.memory_space<vmem>>)
      tpu.yield
    }) : () -> ()
    %scan3A_15 = arith.constant 0 : i32
    %scan3A_16 = arith.constant 80 : i32
    %scan3A_17 = arith.addi %scan3A_15, %scan3A_16 : i32
    %scan3A_18 = arith.constant 1 : i32
    scf.for %scan3A_25 = %scan3A_15 to %scan3A_17 step %scan3A_18  : i32 {
      %mul3A_26 = arith.constant 1 : i32
      %mul3A_27 = arith.muli %scan3A_25, %mul3A_26 : i32
      %add3A = arith.constant 0 : i32
      %add3A_28 = arith.addi %add3A, %mul3A_27 : i32
      "tpu.region"() ({
        %run_scoped3A = tpu.sem_alloc : memref<!tpu.dma_semaphore, #tpu.memory_space<semaphore_mem>>
        %dma_start3A = arith.constant 0 : i32
        %dma_start3A_29 = tpu.memref_slice %arg4[%add3A_28, %dma_start3A] : memref<80x128xi32, #tpu.memory_space<vmem>> -> memref<1x128xi32, #tpu.memory_space<vmem>>
        %dma_start3A_30 = tpu.memref_squeeze %dma_start3A_29 : memref<1x128xi32, #tpu.memory_space<vmem>> -> memref<128xi32, #tpu.memory_space<vmem>>
        %dma_start3A_31 = arith.constant 0 : i32
        %dma_start3A_32 = arith.constant 0 : i32
        %dma_start3A_33 = tpu.memref_slice %arg7[%dma_start3A_31, %dma_start3A_32] : memref<10240x16xf32, #tpu.memory_space<vmem_shared>> -> memref<10240x16xf32, #tpu.memory_space<vmem_shared>>
        tpu.enqueue_indirect_dma source(%arg5 : memref<128x16xf32, #tpu.memory_space<vmem>>) target(%dma_start3A_33 : memref<10240x16xf32, #tpu.memory_space<vmem_shared>>) offsets(%dma_start3A_30 : memref<128xi32, #tpu.memory_space<vmem>>) semaphore(%run_scoped3A : memref<!tpu.dma_semaphore, #tpu.memory_space<semaphore_mem>>) {add = true}
        %dma_wait3A = arith.constant 0 : i32
        %dma_wait3A_34 = tpu.memref_slice %arg4[%add3A_28, %dma_wait3A] : memref<80x128xi32, #tpu.memory_space<vmem>> -> memref<1x128xi32, #tpu.memory_space<vmem>>
        %dma_wait3A_35 = tpu.memref_squeeze %dma_wait3A_34 : memref<1x128xi32, #tpu.memory_space<vmem>> -> memref<128xi32, #tpu.memory_space<vmem>>
        %dma_wait3A_36 = arith.constant 0 : i32
        %dma_wait3A_37 = arith.constant 0 : i32
        %dma_wait3A_38 = tpu.memref_slice %arg7[%dma_wait3A_36, %dma_wait3A_37] : memref<10240x16xf32, #tpu.memory_space<vmem_shared>> -> memref<10240x16xf32, #tpu.memory_space<vmem_shared>>
        tpu.wait_indirect_dma semaphore(%run_scoped3A : memref<!tpu.dma_semaphore, #tpu.memory_space<semaphore_mem>>) src(%arg5 : memref<128x16xf32, #tpu.memory_space<vmem>>) dst(%dma_wait3A_38 : memref<10240x16xf32, #tpu.memory_space<vmem_shared>>)
        tpu.yield
      }) : () -> ()
    }
    %scan3A_19 = arith.constant 80 : i32
    %barrier3A_20 = arith.constant 0 : index
    tpu.barrier barrier_id(%barrier3A_20)
    %mul3A_21 = arith.constant 640 : i32
    %mul3A_22 = arith.muli %arg1, %mul3A_21 : i32
    %mul3A_23 = arith.constant 640 : i32
    %mul3A_24 = arith.muli %arg1, %mul3A_23 : i32
    "tpu.region"() ({
      %run_scoped3A = tpu.sem_alloc : memref<!tpu.dma_semaphore, #tpu.memory_space<semaphore_mem>>
      %dma_start3A = arith.constant 0 : i32
      %dma_start3A_25 = tpu.memref_slice %arg3[%arg0, %mul3A_24, %dma_start3A] : memref<2x10240x16xf32, #tpu.memory_space<hbm>> -> memref<1x640x16xf32, #tpu.memory_space<hbm>>
      %dma_start3A_26 = tpu.memref_squeeze %dma_start3A_25 : memref<1x640x16xf32, #tpu.memory_space<hbm>> -> memref<640x16xf32, #tpu.memory_space<hbm>>
      %dma_start3A_27 = arith.constant 0 : i32
      %dma_start3A_28 = tpu.memref_slice %arg7[%mul3A_22, %dma_start3A_27] : memref<10240x16xf32, #tpu.memory_space<vmem_shared>> -> memref<640x16xf32, #tpu.memory_space<vmem_shared>>
      tpu.enqueue_dma source(%dma_start3A_28 : memref<640x16xf32, #tpu.memory_space<vmem_shared>>) target(%dma_start3A_26 : memref<640x16xf32, #tpu.memory_space<hbm>>) target_semaphore(%run_scoped3A : memref<!tpu.dma_semaphore, #tpu.memory_space<semaphore_mem>>)
      %dma_wait3A = arith.constant 0 : i32
      %dma_wait3A_29 = tpu.memref_slice %arg3[%arg0, %mul3A_24, %dma_wait3A] : memref<2x10240x16xf32, #tpu.memory_space<hbm>> -> memref<1x640x16xf32, #tpu.memory_space<hbm>>
      %dma_wait3A_30 = tpu.memref_squeeze %dma_wait3A_29 : memref<1x640x16xf32, #tpu.memory_space<hbm>> -> memref<640x16xf32, #tpu.memory_space<hbm>>
      %dma_wait3A_31 = arith.constant 0 : i32
      %dma_wait3A_32 = tpu.memref_slice %arg7[%mul3A_22, %dma_wait3A_31] : memref<10240x16xf32, #tpu.memory_space<vmem_shared>> -> memref<640x16xf32, #tpu.memory_space<vmem_shared>>
      tpu.wait_dma2 semaphore(%run_scoped3A : memref<!tpu.dma_semaphore, #tpu.memory_space<semaphore_mem>>) src(%dma_wait3A_32 : memref<640x16xf32, #tpu.memory_space<vmem_shared>>) dst(%dma_wait3A_30 : memref<640x16xf32, #tpu.memory_space<hbm>>)
      tpu.yield
    }) : () -> ()
    return
  }
}

#map = affine_map<(d0, d1) -> (0, 0)>
#map1 = affine_map<(d0, d1) -> (0, 0, 0)>
module attributes {stable_mosaic.version = 14 : i64} {
  func.func @_sc_aggregate(%arg0: i32, %arg1: i32, %arg2: memref<10240x128xf32, #tpu.memory_space<hbm>>, %arg3: memref<16x160x128xi32, #tpu.memory_space<hbm>>, %arg4: memref<16x160x128xi32, #tpu.memory_space<hbm>>, %arg5: memref<10240x128xf32, #tpu.memory_space<hbm>>, %arg6: memref<40x128xi32, #tpu.memory_space<vmem>>, %arg7: memref<40x128xi32, #tpu.memory_space<vmem>>, %arg8: memref<128x64xf32, #tpu.memory_space<vmem>>, %arg9: memref<128x64xf32, #tpu.memory_space<vmem>>, %arg10: memref<10240x64xf32, #tpu.memory_space<vmem_shared>>, %arg11: memref<10240x64xf32, #tpu.memory_space<vmem_shared>>, %arg12: memref<!tpu.dma_semaphore, #tpu.memory_space<semaphore_mem>>, %arg13: memref<!tpu.dma_semaphore, #tpu.memory_space<semaphore_mem>>) attributes {dimension_semantics = [#tpu.dimension_semantics<core_parallel>, #tpu.dimension_semantics<subcore_parallel>], iteration_bounds = array<i64: 2, 16>, scalar_prefetch = 0 : i64, scratch_operands = 8 : i64, tpu.core_type = #tpu.core_type<sc_vector_subcore>, window_params = [{transform_indices = #map}, {transform_indices = #map1}, {transform_indices = #map1}, {transform_indices = #map}]} {
    %mul3A = arith.constant 640 : i32
    %mul3A_0 = arith.muli %arg1, %mul3A : i32
    %mul3A_1 = arith.constant 64 : i32
    %mul3A_2 = arith.muli %arg0, %mul3A_1 : i32
    %mul3A_3 = arith.constant 640 : i32
    %mul3A_4 = arith.muli %arg1, %mul3A_3 : i32
    "tpu.region"() ({
      %run_scoped3A = tpu.sem_alloc : memref<!tpu.dma_semaphore, #tpu.memory_space<semaphore_mem>>
      %dma_start3A = arith.constant 0 : i32
      %dma_start3A_26 = tpu.memref_slice %arg10[%mul3A_4, %dma_start3A] : memref<10240x64xf32, #tpu.memory_space<vmem_shared>> -> memref<640x64xf32, #tpu.memory_space<vmem_shared>>
      %dma_start3A_27 = tpu.memref_slice %arg2[%mul3A_0, %mul3A_2] : memref<10240x128xf32, #tpu.memory_space<hbm>> -> memref<640x64xf32, #tpu.memory_space<hbm>>
      tpu.enqueue_dma source(%dma_start3A_27 : memref<640x64xf32, #tpu.memory_space<hbm>>) target(%dma_start3A_26 : memref<640x64xf32, #tpu.memory_space<vmem_shared>>) target_semaphore(%run_scoped3A : memref<!tpu.dma_semaphore, #tpu.memory_space<semaphore_mem>>)
      %dma_wait3A = arith.constant 0 : i32
      %dma_wait3A_28 = tpu.memref_slice %arg10[%mul3A_4, %dma_wait3A] : memref<10240x64xf32, #tpu.memory_space<vmem_shared>> -> memref<640x64xf32, #tpu.memory_space<vmem_shared>>
      %dma_wait3A_29 = tpu.memref_slice %arg2[%mul3A_0, %mul3A_2] : memref<10240x128xf32, #tpu.memory_space<hbm>> -> memref<640x64xf32, #tpu.memory_space<hbm>>
      tpu.wait_dma2 semaphore(%run_scoped3A : memref<!tpu.dma_semaphore, #tpu.memory_space<semaphore_mem>>) src(%dma_wait3A_29 : memref<640x64xf32, #tpu.memory_space<hbm>>) dst(%dma_wait3A_28 : memref<640x64xf32, #tpu.memory_space<vmem_shared>>)
      tpu.yield
    }) : () -> ()
    %scan3A = arith.constant 0 : i32
    %scan3A_5 = arith.constant 128 : i32
    %scan3A_6 = arith.addi %scan3A, %scan3A_5 : i32
    %scan3A_7 = arith.constant 1 : i32
    scf.for %scan3A_26 = %scan3A to %scan3A_6 step %scan3A_7  : i32 {
      %mul3A_27 = arith.constant 1 : i32
      %mul3A_28 = arith.muli %scan3A_26, %mul3A_27 : i32
      %add3A = arith.constant 0 : i32
      %add3A_29 = arith.addi %add3A, %mul3A_28 : i32
      %scan3A_30 = arith.constant 0 : i32
      %scan3A_31 = arith.constant 4 : i32
      %scan3A_32 = arith.addi %scan3A_30, %scan3A_31 : i32
      %scan3A_33 = arith.constant 1 : i32
      scf.for %scan3A_35 = %scan3A_30 to %scan3A_32 step %scan3A_33  : i32 {
        %mul3A_36 = arith.constant 16 : i32
        %mul3A_37 = arith.muli %scan3A_35, %mul3A_36 : i32
        %add3A_38 = arith.constant 0 : i32
        %add3A_39 = arith.addi %add3A_38, %mul3A_37 : i32
        %broadcast_in_dim3A = arith.constant 0.000000e+00 : f32
        %broadcast_in_dim3A_40 = vector.broadcast %broadcast_in_dim3A : f32 to vector<16xf32>
        %swap3A = arith.index_cast %add3A_29 : i32 to index
        %swap3A_41 = arith.index_cast %add3A_39 : i32 to index
        %swap3A_42 = tpu.vector_load %arg8[%swap3A, %swap3A_41] {strides = array<i32>} : memref<128x64xf32, #tpu.memory_space<vmem>>, vector<1x16xf32>,
        %swap3A_43 = vector.shape_cast %swap3A_42 : vector<1x16xf32> to vector<16xf32>
        %swap3A_44 = vector.shape_cast %broadcast_in_dim3A_40 : vector<16xf32> to vector<1x16xf32>
        tpu.vector_store %arg8[%swap3A, %swap3A_41], %swap3A_44 {strides = array<i32>} : memref<128x64xf32, #tpu.memory_space<vmem>>, vector<1x16xf32>,
      }
      %scan3A_34 = arith.constant 4 : i32
    }
    %scan3A_8 = arith.constant 128 : i32
    %scan3A_9 = arith.constant 0 : i32
    %scan3A_10 = arith.constant 5 : i32
    %scan3A_11 = arith.addi %scan3A_9, %scan3A_10 : i32
    %scan3A_12 = arith.constant 1 : i32
    scf.for %scan3A_26 = %scan3A_9 to %scan3A_11 step %scan3A_12  : i32 {
      %mul3A_27 = arith.constant 128 : i32
      %mul3A_28 = arith.muli %scan3A_26, %mul3A_27 : i32
      %add3A = arith.constant 0 : i32
      %add3A_29 = arith.addi %add3A, %mul3A_28 : i32
      %mul3A_30 = arith.constant 640 : i32
      %mul3A_31 = arith.muli %arg1, %mul3A_30 : i32
      %add3A_32 = arith.addi %mul3A_31, %add3A_29 : i32
      "tpu.region"() ({
        %run_scoped3A = tpu.sem_alloc : memref<!tpu.dma_semaphore, #tpu.memory_space<semaphore_mem>>
        %dma_start3A = arith.constant 0 : i32
        %dma_start3A_33 = tpu.memref_slice %arg11[%add3A_32, %dma_start3A] : memref<10240x64xf32, #tpu.memory_space<vmem_shared>> -> memref<128x64xf32, #tpu.memory_space<vmem_shared>>
        %dma_start3A_34 = arith.constant 0 : i32
        %dma_start3A_35 = tpu.memref_slice %arg11[%add3A_32, %dma_start3A_34] : memref<10240x64xf32, #tpu.memory_space<vmem_shared>> -> memref<128x64xf32, #tpu.memory_space<vmem_shared>>
        tpu.enqueue_dma source(%arg8 : memref<128x64xf32, #tpu.memory_space<vmem>>) target(%dma_start3A_35 : memref<128x64xf32, #tpu.memory_space<vmem_shared>>) target_semaphore(%run_scoped3A : memref<!tpu.dma_semaphore, #tpu.memory_space<semaphore_mem>>)
        %dma_wait3A = arith.constant 0 : i32
        %dma_wait3A_36 = tpu.memref_slice %arg11[%add3A_32, %dma_wait3A] : memref<10240x64xf32, #tpu.memory_space<vmem_shared>> -> memref<128x64xf32, #tpu.memory_space<vmem_shared>>
        %dma_wait3A_37 = arith.constant 0 : i32
        %dma_wait3A_38 = tpu.memref_slice %arg11[%add3A_32, %dma_wait3A_37] : memref<10240x64xf32, #tpu.memory_space<vmem_shared>> -> memref<128x64xf32, #tpu.memory_space<vmem_shared>>
        tpu.wait_dma2 semaphore(%run_scoped3A : memref<!tpu.dma_semaphore, #tpu.memory_space<semaphore_mem>>) src(%arg8 : memref<128x64xf32, #tpu.memory_space<vmem>>) dst(%dma_wait3A_38 : memref<128x64xf32, #tpu.memory_space<vmem_shared>>)
        tpu.yield
      }) : () -> ()
    }
    %scan3A_13 = arith.constant 5 : i32
    %barrier3A = arith.constant 0 : index
    tpu.barrier barrier_id(%barrier3A)
    %scan3A_14 = arith.constant 0 : i32
    %scan3A_15 = arith.constant 4 : i32
    %scan3A_16 = arith.addi %scan3A_14, %scan3A_15 : i32
    %scan3A_17 = arith.constant 1 : i32
    scf.for %scan3A_26 = %scan3A_14 to %scan3A_16 step %scan3A_17  : i32 {
      %mul3A_27 = arith.constant 1 : i32
      %mul3A_28 = arith.muli %scan3A_26, %mul3A_27 : i32
      %add3A = arith.constant 0 : i32
      %add3A_29 = arith.addi %add3A, %mul3A_28 : i32
      %mul3A_30 = arith.constant 40 : i32
      %mul3A_31 = arith.muli %add3A_29, %mul3A_30 : i32
      "tpu.region"() ({
        %run_scoped3A = tpu.sem_alloc : memref<!tpu.dma_semaphore, #tpu.memory_space<semaphore_mem>>
        %dma_start3A_45 = arith.constant 0 : i32
        %dma_start3A_46 = arith.constant 0 : i32
        %dma_start3A_47 = tpu.memref_slice %arg3[%arg1, %dma_start3A_45, %dma_start3A_46] : memref<16x160x128xi32, #tpu.memory_space<hbm>> -> memref<1x160x128xi32, #tpu.memory_space<hbm>>
        %dma_start3A_48 = tpu.memref_squeeze %dma_start3A_47 : memref<1x160x128xi32, #tpu.memory_space<hbm>> -> memref<160x128xi32, #tpu.memory_space<hbm>>
        %dma_start3A_49 = arith.constant 0 : i32
        %dma_start3A_50 = tpu.memref_slice %dma_start3A_48[%mul3A_31, %dma_start3A_49] : memref<160x128xi32, #tpu.memory_space<hbm>> -> memref<40x128xi32, #tpu.memory_space<hbm>>
        %dma_start3A_51 = arith.constant 0 : i32
        %dma_start3A_52 = arith.constant 0 : i32
        %dma_start3A_53 = tpu.memref_slice %arg3[%arg1, %dma_start3A_51, %dma_start3A_52] : memref<16x160x128xi32, #tpu.memory_space<hbm>> -> memref<1x160x128xi32, #tpu.memory_space<hbm>>
        %dma_start3A_54 = tpu.memref_squeeze %dma_start3A_53 : memref<1x160x128xi32, #tpu.memory_space<hbm>> -> memref<160x128xi32, #tpu.memory_space<hbm>>
        %dma_start3A_55 = arith.constant 0 : i32
        %dma_start3A_56 = tpu.memref_slice %dma_start3A_54[%mul3A_31, %dma_start3A_55] : memref<160x128xi32, #tpu.memory_space<hbm>> -> memref<40x128xi32, #tpu.memory_space<hbm>>
        tpu.enqueue_dma source(%dma_start3A_56 : memref<40x128xi32, #tpu.memory_space<hbm>>) target(%arg6 : memref<40x128xi32, #tpu.memory_space<vmem>>) target_semaphore(%run_scoped3A : memref<!tpu.dma_semaphore, #tpu.memory_space<semaphore_mem>>)
        %dma_wait3A = arith.constant 0 : i32
        %dma_wait3A_57 = arith.constant 0 : i32
        %dma_wait3A_58 = tpu.memref_slice %arg3[%arg1, %dma_wait3A, %dma_wait3A_57] : memref<16x160x128xi32, #tpu.memory_space<hbm>> -> memref<1x160x128xi32, #tpu.memory_space<hbm>>
        %dma_wait3A_59 = tpu.memref_squeeze %dma_wait3A_58 : memref<1x160x128xi32, #tpu.memory_space<hbm>> -> memref<160x128xi32, #tpu.memory_space<hbm>>
        %dma_wait3A_60 = arith.constant 0 : i32
        %dma_wait3A_61 = tpu.memref_slice %dma_wait3A_59[%mul3A_31, %dma_wait3A_60] : memref<160x128xi32, #tpu.memory_space<hbm>> -> memref<40x128xi32, #tpu.memory_space<hbm>>
        %dma_wait3A_62 = arith.constant 0 : i32
        %dma_wait3A_63 = arith.constant 0 : i32
        %dma_wait3A_64 = tpu.memref_slice %arg3[%arg1, %dma_wait3A_62, %dma_wait3A_63] : memref<16x160x128xi32, #tpu.memory_space<hbm>> -> memref<1x160x128xi32, #tpu.memory_space<hbm>>
        %dma_wait3A_65 = tpu.memref_squeeze %dma_wait3A_64 : memref<1x160x128xi32, #tpu.memory_space<hbm>> -> memref<160x128xi32, #tpu.memory_space<hbm>>
        %dma_wait3A_66 = arith.constant 0 : i32
        %dma_wait3A_67 = tpu.memref_slice %dma_wait3A_65[%mul3A_31, %dma_wait3A_66] : memref<160x128xi32, #tpu.memory_space<hbm>> -> memref<40x128xi32, #tpu.memory_space<hbm>>
        tpu.wait_dma2 semaphore(%run_scoped3A : memref<!tpu.dma_semaphore, #tpu.memory_space<semaphore_mem>>) src(%dma_wait3A_67 : memref<40x128xi32, #tpu.memory_space<hbm>>) dst(%arg6 : memref<40x128xi32, #tpu.memory_space<vmem>>)
        tpu.yield
      }) : () -> ()
      %mul3A_32 = arith.constant 40 : i32
      %mul3A_33 = arith.muli %add3A_29, %mul3A_32 : i32
      "tpu.region"() ({
        %run_scoped3A = tpu.sem_alloc : memref<!tpu.dma_semaphore, #tpu.memory_space<semaphore_mem>>
        %dma_start3A_45 = arith.constant 0 : i32
        %dma_start3A_46 = arith.constant 0 : i32
        %dma_start3A_47 = tpu.memref_slice %arg4[%arg1, %dma_start3A_45, %dma_start3A_46] : memref<16x160x128xi32, #tpu.memory_space<hbm>> -> memref<1x160x128xi32, #tpu.memory_space<hbm>>
        %dma_start3A_48 = tpu.memref_squeeze %dma_start3A_47 : memref<1x160x128xi32, #tpu.memory_space<hbm>> -> memref<160x128xi32, #tpu.memory_space<hbm>>
        %dma_start3A_49 = arith.constant 0 : i32
        %dma_start3A_50 = tpu.memref_slice %dma_start3A_48[%mul3A_33, %dma_start3A_49] : memref<160x128xi32, #tpu.memory_space<hbm>> -> memref<40x128xi32, #tpu.memory_space<hbm>>
        %dma_start3A_51 = arith.constant 0 : i32
        %dma_start3A_52 = arith.constant 0 : i32
        %dma_start3A_53 = tpu.memref_slice %arg4[%arg1, %dma_start3A_51, %dma_start3A_52] : memref<16x160x128xi32, #tpu.memory_space<hbm>> -> memref<1x160x128xi32, #tpu.memory_space<hbm>>
        %dma_start3A_54 = tpu.memref_squeeze %dma_start3A_53 : memref<1x160x128xi32, #tpu.memory_space<hbm>> -> memref<160x128xi32, #tpu.memory_space<hbm>>
        %dma_start3A_55 = arith.constant 0 : i32
        %dma_start3A_56 = tpu.memref_slice %dma_start3A_54[%mul3A_33, %dma_start3A_55] : memref<160x128xi32, #tpu.memory_space<hbm>> -> memref<40x128xi32, #tpu.memory_space<hbm>>
        tpu.enqueue_dma source(%dma_start3A_56 : memref<40x128xi32, #tpu.memory_space<hbm>>) target(%arg7 : memref<40x128xi32, #tpu.memory_space<vmem>>) target_semaphore(%run_scoped3A : memref<!tpu.dma_semaphore, #tpu.memory_space<semaphore_mem>>)
        %dma_wait3A = arith.constant 0 : i32
        %dma_wait3A_57 = arith.constant 0 : i32
        %dma_wait3A_58 = tpu.memref_slice %arg4[%arg1, %dma_wait3A, %dma_wait3A_57] : memref<16x160x128xi32, #tpu.memory_space<hbm>> -> memref<1x160x128xi32, #tpu.memory_space<hbm>>
        %dma_wait3A_59 = tpu.memref_squeeze %dma_wait3A_58 : memref<1x160x128xi32, #tpu.memory_space<hbm>> -> memref<160x128xi32, #tpu.memory_space<hbm>>
        %dma_wait3A_60 = arith.constant 0 : i32
        %dma_wait3A_61 = tpu.memref_slice %dma_wait3A_59[%mul3A_33, %dma_wait3A_60] : memref<160x128xi32, #tpu.memory_space<hbm>> -> memref<40x128xi32, #tpu.memory_space<hbm>>
        %dma_wait3A_62 = arith.constant 0 : i32
        %dma_wait3A_63 = arith.constant 0 : i32
        %dma_wait3A_64 = tpu.memref_slice %arg4[%arg1, %dma_wait3A_62, %dma_wait3A_63] : memref<16x160x128xi32, #tpu.memory_space<hbm>> -> memref<1x160x128xi32, #tpu.memory_space<hbm>>
        %dma_wait3A_65 = tpu.memref_squeeze %dma_wait3A_64 : memref<1x160x128xi32, #tpu.memory_space<hbm>> -> memref<160x128xi32, #tpu.memory_space<hbm>>
        %dma_wait3A_66 = arith.constant 0 : i32
        %dma_wait3A_67 = tpu.memref_slice %dma_wait3A_65[%mul3A_33, %dma_wait3A_66] : memref<160x128xi32, #tpu.memory_space<hbm>> -> memref<40x128xi32, #tpu.memory_space<hbm>>
        tpu.wait_dma2 semaphore(%run_scoped3A : memref<!tpu.dma_semaphore, #tpu.memory_space<semaphore_mem>>) src(%dma_wait3A_67 : memref<40x128xi32, #tpu.memory_space<hbm>>) dst(%arg7 : memref<40x128xi32, #tpu.memory_space<vmem>>)
        tpu.yield
      }) : () -> ()
      %dma_start3A = arith.constant 0 : i32
      %dma_start3A_34 = arith.constant 0 : i32
      %dma_start3A_35 = tpu.memref_slice %arg6[%dma_start3A, %dma_start3A_34] : memref<40x128xi32, #tpu.memory_space<vmem>> -> memref<1x128xi32, #tpu.memory_space<vmem>>
      %dma_start3A_36 = tpu.memref_squeeze %dma_start3A_35 : memref<1x128xi32, #tpu.memory_space<vmem>> -> memref<128xi32, #tpu.memory_space<vmem>>
      %dma_start3A_37 = arith.constant 0 : i32
      %dma_start3A_38 = arith.constant 0 : i32
      %dma_start3A_39 = tpu.memref_slice %arg10[%dma_start3A_37, %dma_start3A_38] : memref<10240x64xf32, #tpu.memory_space<vmem_shared>> -> memref<10240x64xf32, #tpu.memory_space<vmem_shared>>
      tpu.enqueue_indirect_dma source(%dma_start3A_39 : memref<10240x64xf32, #tpu.memory_space<vmem_shared>>) target(%arg8 : memref<128x64xf32, #tpu.memory_space<vmem>>) offsets(%dma_start3A_36 : memref<128xi32, #tpu.memory_space<vmem>>) semaphore(%arg12 : memref<!tpu.dma_semaphore, #tpu.memory_space<semaphore_mem>>)
      %scan3A_40 = arith.constant 0 : i32
      %scan3A_41 = arith.constant 20 : i32
      %scan3A_42 = arith.addi %scan3A_40, %scan3A_41 : i32
      %scan3A_43 = arith.constant 1 : i32
      scf.for %scan3A_45 = %scan3A_40 to %scan3A_42 step %scan3A_43  : i32 {
        %mul3A_46 = arith.constant 2 : i32
        %mul3A_47 = arith.muli %scan3A_45, %mul3A_46 : i32
        %add3A_48 = arith.constant 0 : i32
        %add3A_49 = arith.addi %add3A_48, %mul3A_47 : i32
        %dma_wait3A = arith.constant 0 : i32
        %dma_wait3A_50 = tpu.memref_slice %arg6[%add3A_49, %dma_wait3A] : memref<40x128xi32, #tpu.memory_space<vmem>> -> memref<1x128xi32, #tpu.memory_space<vmem>>
        %dma_wait3A_51 = tpu.memref_squeeze %dma_wait3A_50 : memref<1x128xi32, #tpu.memory_space<vmem>> -> memref<128xi32, #tpu.memory_space<vmem>>
        %dma_wait3A_52 = arith.constant 0 : i32
        %dma_wait3A_53 = arith.constant 0 : i32
        %dma_wait3A_54 = tpu.memref_slice %arg10[%dma_wait3A_52, %dma_wait3A_53] : memref<10240x64xf32, #tpu.memory_space<vmem_shared>> -> memref<10240x64xf32, #tpu.memory_space<vmem_shared>>
        tpu.wait_indirect_dma semaphore(%arg12 : memref<!tpu.dma_semaphore, #tpu.memory_space<semaphore_mem>>) src(%dma_wait3A_54 : memref<10240x64xf32, #tpu.memory_space<vmem_shared>>) dst(%arg8 : memref<128x64xf32, #tpu.memory_space<vmem>>)
        %add3A_55 = arith.constant 1 : i32
        %add3A_56 = arith.addi %add3A_49, %add3A_55 : i32
        %dma_start3A_57 = arith.constant 0 : i32
        %dma_start3A_58 = tpu.memref_slice %arg6[%add3A_56, %dma_start3A_57] : memref<40x128xi32, #tpu.memory_space<vmem>> -> memref<1x128xi32, #tpu.memory_space<vmem>>
        %dma_start3A_59 = tpu.memref_squeeze %dma_start3A_58 : memref<1x128xi32, #tpu.memory_space<vmem>> -> memref<128xi32, #tpu.memory_space<vmem>>
        %dma_start3A_60 = arith.constant 0 : i32
        %dma_start3A_61 = arith.constant 0 : i32
        %dma_start3A_62 = tpu.memref_slice %arg10[%dma_start3A_60, %dma_start3A_61] : memref<10240x64xf32, #tpu.memory_space<vmem_shared>> -> memref<10240x64xf32, #tpu.memory_space<vmem_shared>>
        tpu.enqueue_indirect_dma source(%dma_start3A_62 : memref<10240x64xf32, #tpu.memory_space<vmem_shared>>) target(%arg9 : memref<128x64xf32, #tpu.memory_space<vmem>>) offsets(%dma_start3A_59 : memref<128xi32, #tpu.memory_space<vmem>>) semaphore(%arg13 : memref<!tpu.dma_semaphore, #tpu.memory_space<semaphore_mem>>)
        "tpu.region"() ({
          %run_scoped3A = tpu.sem_alloc : memref<!tpu.dma_semaphore, #tpu.memory_space<semaphore_mem>>
          %dma_start3A_77 = arith.constant 0 : i32
          %dma_start3A_78 = tpu.memref_slice %arg7[%add3A_49, %dma_start3A_77] : memref<40x128xi32, #tpu.memory_space<vmem>> -> memref<1x128xi32, #tpu.memory_space<vmem>>
          %dma_start3A_79 = tpu.memref_squeeze %dma_start3A_78 : memref<1x128xi32, #tpu.memory_space<vmem>> -> memref<128xi32, #tpu.memory_space<vmem>>
          %dma_start3A_80 = arith.constant 0 : i32
          %dma_start3A_81 = arith.constant 0 : i32
          %dma_start3A_82 = tpu.memref_slice %arg11[%dma_start3A_80, %dma_start3A_81] : memref<10240x64xf32, #tpu.memory_space<vmem_shared>> -> memref<10240x64xf32, #tpu.memory_space<vmem_shared>>
          tpu.enqueue_indirect_dma source(%arg8 : memref<128x64xf32, #tpu.memory_space<vmem>>) target(%dma_start3A_82 : memref<10240x64xf32, #tpu.memory_space<vmem_shared>>) offsets(%dma_start3A_79 : memref<128xi32, #tpu.memory_space<vmem>>) semaphore(%run_scoped3A : memref<!tpu.dma_semaphore, #tpu.memory_space<semaphore_mem>>) {add = true}
          %dma_wait3A_83 = arith.constant 0 : i32
          %dma_wait3A_84 = tpu.memref_slice %arg7[%add3A_49, %dma_wait3A_83] : memref<40x128xi32, #tpu.memory_space<vmem>> -> memref<1x128xi32, #tpu.memory_space<vmem>>
          %dma_wait3A_85 = tpu.memref_squeeze %dma_wait3A_84 : memref<1x128xi32, #tpu.memory_space<vmem>> -> memref<128xi32, #tpu.memory_space<vmem>>
          %dma_wait3A_86 = arith.constant 0 : i32
          %dma_wait3A_87 = arith.constant 0 : i32
          %dma_wait3A_88 = tpu.memref_slice %arg11[%dma_wait3A_86, %dma_wait3A_87] : memref<10240x64xf32, #tpu.memory_space<vmem_shared>> -> memref<10240x64xf32, #tpu.memory_space<vmem_shared>>
          tpu.wait_indirect_dma semaphore(%run_scoped3A : memref<!tpu.dma_semaphore, #tpu.memory_space<semaphore_mem>>) src(%arg8 : memref<128x64xf32, #tpu.memory_space<vmem>>) dst(%dma_wait3A_88 : memref<10240x64xf32, #tpu.memory_space<vmem_shared>>)
          tpu.yield
        }) : () -> ()
        %add3A_63 = arith.constant 1 : i32
        %add3A_64 = arith.addi %add3A_49, %add3A_63 : i32
        %dma_wait3A_65 = arith.constant 0 : i32
        %dma_wait3A_66 = tpu.memref_slice %arg6[%add3A_64, %dma_wait3A_65] : memref<40x128xi32, #tpu.memory_space<vmem>> -> memref<1x128xi32, #tpu.memory_space<vmem>>
        %dma_wait3A_67 = tpu.memref_squeeze %dma_wait3A_66 : memref<1x128xi32, #tpu.memory_space<vmem>> -> memref<128xi32, #tpu.memory_space<vmem>>
        %dma_wait3A_68 = arith.constant 0 : i32
        %dma_wait3A_69 = arith.constant 0 : i32
        %dma_wait3A_70 = tpu.memref_slice %arg10[%dma_wait3A_68, %dma_wait3A_69] : memref<10240x64xf32, #tpu.memory_space<vmem_shared>> -> memref<10240x64xf32, #tpu.memory_space<vmem_shared>>
        tpu.wait_indirect_dma semaphore(%arg13 : memref<!tpu.dma_semaphore, #tpu.memory_space<semaphore_mem>>) src(%dma_wait3A_70 : memref<10240x64xf32, #tpu.memory_space<vmem_shared>>) dst(%arg9 : memref<128x64xf32, #tpu.memory_space<vmem>>)
        %add3A_71 = arith.constant 2 : i32
        %add3A_72 = arith.addi %add3A_49, %add3A_71 : i32
        %lt3A = arith.constant 40 : i32
        %lt3A_73 = arith.cmpi slt, %add3A_72, %lt3A : i32
        %convert_element_type3A = arith.extui %lt3A_73 : i1 to i32
        %cond3A = arith.constant 0 : i32
        %cond3A_74 = arith.cmpi ne, %convert_element_type3A, %cond3A : i32
        scf.if %cond3A_74 {
          %add3A_77 = arith.constant 2 : i32
          %add3A_78 = arith.addi %add3A_49, %add3A_77 : i32
          %dma_start3A_79 = arith.constant 0 : i32
          %dma_start3A_80 = tpu.memref_slice %arg6[%add3A_78, %dma_start3A_79] : memref<40x128xi32, #tpu.memory_space<vmem>> -> memref<1x128xi32, #tpu.memory_space<vmem>>
          %dma_start3A_81 = tpu.memref_squeeze %dma_start3A_80 : memref<1x128xi32, #tpu.memory_space<vmem>> -> memref<128xi32, #tpu.memory_space<vmem>>
          %dma_start3A_82 = arith.constant 0 : i32
          %dma_start3A_83 = arith.constant 0 : i32
          %dma_start3A_84 = tpu.memref_slice %arg10[%dma_start3A_82, %dma_start3A_83] : memref<10240x64xf32, #tpu.memory_space<vmem_shared>> -> memref<10240x64xf32, #tpu.memory_space<vmem_shared>>
          tpu.enqueue_indirect_dma source(%dma_start3A_84 : memref<10240x64xf32, #tpu.memory_space<vmem_shared>>) target(%arg8 : memref<128x64xf32, #tpu.memory_space<vmem>>) offsets(%dma_start3A_81 : memref<128xi32, #tpu.memory_space<vmem>>) semaphore(%arg12 : memref<!tpu.dma_semaphore, #tpu.memory_space<semaphore_mem>>)
        } else {
        }
        %add3A_75 = arith.constant 1 : i32
        %add3A_76 = arith.addi %add3A_49, %add3A_75 : i32
        "tpu.region"() ({
          %run_scoped3A = tpu.sem_alloc : memref<!tpu.dma_semaphore, #tpu.memory_space<semaphore_mem>>
          %dma_start3A_77 = arith.constant 0 : i32
          %dma_start3A_78 = tpu.memref_slice %arg7[%add3A_76, %dma_start3A_77] : memref<40x128xi32, #tpu.memory_space<vmem>> -> memref<1x128xi32, #tpu.memory_space<vmem>>
          %dma_start3A_79 = tpu.memref_squeeze %dma_start3A_78 : memref<1x128xi32, #tpu.memory_space<vmem>> -> memref<128xi32, #tpu.memory_space<vmem>>
          %dma_start3A_80 = arith.constant 0 : i32
          %dma_start3A_81 = arith.constant 0 : i32
          %dma_start3A_82 = tpu.memref_slice %arg11[%dma_start3A_80, %dma_start3A_81] : memref<10240x64xf32, #tpu.memory_space<vmem_shared>> -> memref<10240x64xf32, #tpu.memory_space<vmem_shared>>
          tpu.enqueue_indirect_dma source(%arg9 : memref<128x64xf32, #tpu.memory_space<vmem>>) target(%dma_start3A_82 : memref<10240x64xf32, #tpu.memory_space<vmem_shared>>) offsets(%dma_start3A_79 : memref<128xi32, #tpu.memory_space<vmem>>) semaphore(%run_scoped3A : memref<!tpu.dma_semaphore, #tpu.memory_space<semaphore_mem>>) {add = true}
          %dma_wait3A_83 = arith.constant 0 : i32
          %dma_wait3A_84 = tpu.memref_slice %arg7[%add3A_76, %dma_wait3A_83] : memref<40x128xi32, #tpu.memory_space<vmem>> -> memref<1x128xi32, #tpu.memory_space<vmem>>
          %dma_wait3A_85 = tpu.memref_squeeze %dma_wait3A_84 : memref<1x128xi32, #tpu.memory_space<vmem>> -> memref<128xi32, #tpu.memory_space<vmem>>
          %dma_wait3A_86 = arith.constant 0 : i32
          %dma_wait3A_87 = arith.constant 0 : i32
          %dma_wait3A_88 = tpu.memref_slice %arg11[%dma_wait3A_86, %dma_wait3A_87] : memref<10240x64xf32, #tpu.memory_space<vmem_shared>> -> memref<10240x64xf32, #tpu.memory_space<vmem_shared>>
          tpu.wait_indirect_dma semaphore(%run_scoped3A : memref<!tpu.dma_semaphore, #tpu.memory_space<semaphore_mem>>) src(%arg9 : memref<128x64xf32, #tpu.memory_space<vmem>>) dst(%dma_wait3A_88 : memref<10240x64xf32, #tpu.memory_space<vmem_shared>>)
          tpu.yield
        }) : () -> ()
      }
      %scan3A_44 = arith.constant 20 : i32
    }
    %scan3A_18 = arith.constant 4 : i32
    %barrier3A_19 = arith.constant 0 : index
    tpu.barrier barrier_id(%barrier3A_19)
    %mul3A_20 = arith.constant 640 : i32
    %mul3A_21 = arith.muli %arg1, %mul3A_20 : i32
    %mul3A_22 = arith.constant 640 : i32
    %mul3A_23 = arith.muli %arg1, %mul3A_22 : i32
    %mul3A_24 = arith.constant 64 : i32
    %mul3A_25 = arith.muli %arg0, %mul3A_24 : i32
    "tpu.region"() ({
      %run_scoped3A = tpu.sem_alloc : memref<!tpu.dma_semaphore, #tpu.memory_space<semaphore_mem>>
      %dma_start3A = tpu.memref_slice %arg5[%mul3A_23, %mul3A_25] : memref<10240x128xf32, #tpu.memory_space<hbm>> -> memref<640x64xf32, #tpu.memory_space<hbm>>
      %dma_start3A_26 = arith.constant 0 : i32
      %dma_start3A_27 = tpu.memref_slice %arg11[%mul3A_21, %dma_start3A_26] : memref<10240x64xf32, #tpu.memory_space<vmem_shared>> -> memref<640x64xf32, #tpu.memory_space<vmem_shared>>
      tpu.enqueue_dma source(%dma_start3A_27 : memref<640x64xf32, #tpu.memory_space<vmem_shared>>) target(%dma_start3A : memref<640x64xf32, #tpu.memory_space<hbm>>) target_semaphore(%run_scoped3A : memref<!tpu.dma_semaphore, #tpu.memory_space<semaphore_mem>>)
      %dma_wait3A = tpu.memref_slice %arg5[%mul3A_23, %mul3A_25] : memref<10240x128xf32, #tpu.memory_space<hbm>> -> memref<640x64xf32, #tpu.memory_space<hbm>>
      %dma_wait3A_28 = arith.constant 0 : i32
      %dma_wait3A_29 = tpu.memref_slice %arg11[%mul3A_21, %dma_wait3A_28] : memref<10240x64xf32, #tpu.memory_space<vmem_shared>> -> memref<640x64xf32, #tpu.memory_space<vmem_shared>>
      tpu.wait_dma2 semaphore(%run_scoped3A : memref<!tpu.dma_semaphore, #tpu.memory_space<semaphore_mem>>) src(%dma_wait3A_29 : memref<640x64xf32, #tpu.memory_space<vmem_shared>>) dst(%dma_wait3A : memref<640x64xf32, #tpu.memory_space<hbm>>)
      tpu.yield
    }) : () -> ()
    return
  }
}

module attributes {stable_mosaic.version = 14 : i64} {
  func.func @_layer1_body(%arg0: i32, %arg1: memref<1024x128xf32, #tpu.memory_space<vmem>>, %arg2: memref<128x128xf32, #tpu.memory_space<vmem>>, %arg3: memref<2x1024x16xf32, #tpu.memory_space<vmem>>, %arg4: memref<1024x128xf32, #tpu.memory_space<vmem>>) attributes {dimension_semantics = [#tpu.dimension_semantics<arbitrary>], iteration_bounds = array<i64: 10>, scalar_prefetch = 0 : i64, scratch_operands = 0 : i64, tpu.core_type = #tpu.core_type<tc>, window_params = [{transform_indices = @transform_0, window_bounds = array<i64: 1024, 128>}, {pipeline_mode = #tpu.pipeline_mode<synchronous>, transform_indices = @transform_1, window_bounds = array<i64: 128, 128>}, {transform_indices = @transform_2, window_bounds = array<i64: 2, 1024, 16>}, {transform_indices = @transform_3, window_bounds = array<i64: 1024, 128>}]} {
    %get3A = arith.constant 0 : index
    %get3A_0 = arith.constant 0 : index
    %get3A_1 = vector.load %arg1[%get3A, %get3A_0] : memref<1024x128xf32, #tpu.memory_space<vmem>>, vector<1024x128xf32>
    %get3A_2 = arith.constant 0 : index
    %get3A_3 = arith.constant 0 : index
    %get3A_4 = vector.load %arg2[%get3A_2, %get3A_3] : memref<128x128xf32, #tpu.memory_space<vmem>>, vector<128x128xf32>
    %dot_general3A = arith.constant dense<0.000000e+00> : vector<1024x128xf32>
    %dot_general3A_5 = tpu.matmul %get3A_1, %get3A_4, %dot_general3A {dimension_numbers = #tpu.dot_dimension_numbers<[1], [0], [0], [1], [0, 0, 1, 1], [], []>, transpose_lhs_hint = false} : vector<1024x128xf32>, vector<128x128xf32>, vector<1024x128xf32> -> vector<1024x128xf32>
    %get3A_6 = arith.constant 0 : index
    %get3A_7 = arith.constant 0 : index
    %get3A_8 = arith.constant 0 : index
    %get3A_9 = vector.load %arg3[%get3A_6, %get3A_7, %get3A_8] : memref<2x1024x16xf32, #tpu.memory_space<vmem>>, vector<2x1024x16xf32>
    %slice3A = vector.extract_strided_slice %get3A_9 {offsets = [0, 0, 0], sizes = [1, 1024, 1], strides = [1, 1, 1]} : vector<2x1024x16xf32> to vector<1x1024x1xf32>
    %squeeze3A = vector.shape_cast %slice3A : vector<1x1024x1xf32> to vector<1024x1xf32>
    %slice3A_10 = vector.extract_strided_slice %get3A_9 {offsets = [1, 0, 0], sizes = [1, 1024, 1], strides = [1, 1, 1]} : vector<2x1024x16xf32> to vector<1x1024x1xf32>
    %squeeze3A_11 = vector.shape_cast %slice3A_10 : vector<1x1024x1xf32> to vector<1024x1xf32>
    %add3A = arith.addf %squeeze3A, %squeeze3A_11 : vector<1024x1xf32>
    %add3A_12 = arith.constant 1.000000e+00 : f32
    %add3A_13 = vector.broadcast %add3A_12 : f32 to vector<1024x1xf32>
    %add3A_14 = arith.addf %add3A, %add3A_13 : vector<1024x1xf32>
    %rsqrt3A = math.rsqrt %add3A_14 : vector<1024x1xf32>
    %mul3A = vector.broadcast %rsqrt3A : vector<1024x1xf32> to vector<1024x128xf32>
    %mul3A_15 = arith.mulf %mul3A, %dot_general3A_5 : vector<1024x128xf32>
    %swap3A = arith.constant 0 : index
    %swap3A_16 = arith.constant 0 : index
    %swap3A_17 = vector.load %arg4[%swap3A, %swap3A_16] : memref<1024x128xf32, #tpu.memory_space<vmem>>, vector<1024x128xf32>
    tpu.vector_store %arg4[%swap3A, %swap3A_16], %mul3A_15 {strides = array<i32>} : memref<1024x128xf32, #tpu.memory_space<vmem>>, vector<1024x128xf32>,
    return
  }
  func.func @transform_0(%arg0: i32) -> (i32, i32) {
    %c0_i32 = arith.constant 0 : i32
    %c0_i32_0 = arith.constant 0 : i32
    return %arg0, %c0_i32 : i32, i32
  }
  func.func @transform_1(%arg0: i32) -> (i32, i32) {
    %c0_i32 = arith.constant 0 : i32
    %c0_i32_0 = arith.constant 0 : i32
    %c0_i32_1 = arith.constant 0 : i32
    return %c0_i32, %c0_i32_0 : i32, i32
  }
  func.func @transform_2(%arg0: i32) -> (i32, i32, i32) {
    %c0_i32 = arith.constant 0 : i32
    %c0_i32_0 = arith.constant 0 : i32
    %c0_i32_1 = arith.constant 0 : i32
    return %c0_i32, %arg0, %c0_i32_0 : i32, i32, i32
  }
  func.func @transform_3(%arg0: i32) -> (i32, i32) {
    %c0_i32 = arith.constant 0 : i32
    %c0_i32_0 = arith.constant 0 : i32
    return %arg0, %c0_i32 : i32, i32
  }
}

module attributes {stable_mosaic.version = 14 : i64} {
  func.func @_mid_body(%arg0: i32, %arg1: memref<1024x128xf32, #tpu.memory_space<vmem>>, %arg2: memref<1024x128xf32, #tpu.memory_space<vmem>>, %arg3: memref<2x1024x16xf32, #tpu.memory_space<vmem>>, %arg4: memref<1x128xf32, #tpu.memory_space<vmem>>, %arg5: memref<128x128xf32, #tpu.memory_space<vmem>>, %arg6: memref<1024x128xf32, #tpu.memory_space<vmem>>) attributes {dimension_semantics = [#tpu.dimension_semantics<arbitrary>], iteration_bounds = array<i64: 10>, scalar_prefetch = 0 : i64, scratch_operands = 0 : i64, tpu.core_type = #tpu.core_type<tc>, window_params = [{transform_indices = @transform_0, window_bounds = array<i64: 1024, 128>}, {transform_indices = @transform_1, window_bounds = array<i64: 1024, 128>}, {transform_indices = @transform_2, window_bounds = array<i64: 2, 1024, 16>}, {pipeline_mode = #tpu.pipeline_mode<synchronous>, transform_indices = @transform_3, window_bounds = array<i64: 1, 128>}, {pipeline_mode = #tpu.pipeline_mode<synchronous>, transform_indices = @transform_4, window_bounds = array<i64: 128, 128>}, {transform_indices = @transform_5, window_bounds = array<i64: 1024, 128>}]} {
    %get3A = arith.constant 0 : index
    %get3A_0 = arith.constant 0 : index
    %get3A_1 = arith.constant 0 : index
    %get3A_2 = vector.load %arg3[%get3A, %get3A_0, %get3A_1] : memref<2x1024x16xf32, #tpu.memory_space<vmem>>, vector<2x1024x16xf32>
    %slice3A = vector.extract_strided_slice %get3A_2 {offsets = [0, 0, 0], sizes = [1, 1024, 1], strides = [1, 1, 1]} : vector<2x1024x16xf32> to vector<1x1024x1xf32>
    %squeeze3A = vector.shape_cast %slice3A : vector<1x1024x1xf32> to vector<1024x1xf32>
    %slice3A_3 = vector.extract_strided_slice %get3A_2 {offsets = [1, 0, 0], sizes = [1, 1024, 1], strides = [1, 1, 1]} : vector<2x1024x16xf32> to vector<1x1024x1xf32>
    %squeeze3A_4 = vector.shape_cast %slice3A_3 : vector<1x1024x1xf32> to vector<1024x1xf32>
    %add3A = arith.addf %squeeze3A, %squeeze3A_4 : vector<1024x1xf32>
    %add3A_5 = arith.constant 1.000000e+00 : f32
    %add3A_6 = vector.broadcast %add3A_5 : f32 to vector<1024x1xf32>
    %add3A_7 = arith.addf %add3A, %add3A_6 : vector<1024x1xf32>
    %rsqrt3A = math.rsqrt %add3A_7 : vector<1024x1xf32>
    %get3A_8 = arith.constant 0 : index
    %get3A_9 = arith.constant 0 : index
    %get3A_10 = vector.load %arg1[%get3A_8, %get3A_9] : memref<1024x128xf32, #tpu.memory_space<vmem>>, vector<1024x128xf32>
    %get3A_11 = arith.constant 0 : index
    %get3A_12 = arith.constant 0 : index
    %get3A_13 = vector.load %arg2[%get3A_11, %get3A_12] : memref<1024x128xf32, #tpu.memory_space<vmem>>, vector<1024x128xf32>
    %add3A_14 = arith.addf %get3A_10, %get3A_13 : vector<1024x128xf32>
    %mul3A = vector.broadcast %rsqrt3A : vector<1024x1xf32> to vector<1024x128xf32>
    %mul3A_15 = arith.mulf %mul3A, %add3A_14 : vector<1024x128xf32>
    %get3A_16 = arith.constant 0 : index
    %get3A_17 = arith.constant 0 : index
    %get3A_18 = vector.load %arg4[%get3A_16, %get3A_17] : memref<1x128xf32, #tpu.memory_space<vmem>>, vector<1x128xf32>
    %add3A_19 = vector.broadcast %get3A_18 : vector<1x128xf32> to vector<1024x128xf32>
    %add3A_20 = arith.addf %mul3A_15, %add3A_19 : vector<1024x128xf32>
    %max3A = arith.constant 0.000000e+00 : f32
    %max3A_21 = vector.broadcast %max3A : f32 to vector<1024x128xf32>
    %max3A_22 = arith.maximumf %add3A_20, %max3A_21 : vector<1024x128xf32>
    %get3A_23 = arith.constant 0 : index
    %get3A_24 = arith.constant 0 : index
    %get3A_25 = vector.load %arg5[%get3A_23, %get3A_24] : memref<128x128xf32, #tpu.memory_space<vmem>>, vector<128x128xf32>
    %dot_general3A = arith.constant dense<0.000000e+00> : vector<1024x128xf32>
    %dot_general3A_26 = tpu.matmul %max3A_22, %get3A_25, %dot_general3A {dimension_numbers = #tpu.dot_dimension_numbers<[1], [0], [0], [1], [0, 0, 1, 1], [], []>, transpose_lhs_hint = false} : vector<1024x128xf32>, vector<128x128xf32>, vector<1024x128xf32> -> vector<1024x128xf32>
    %mul3A_27 = vector.broadcast %rsqrt3A : vector<1024x1xf32> to vector<1024x128xf32>
    %mul3A_28 = arith.mulf %mul3A_27, %dot_general3A_26 : vector<1024x128xf32>
    %swap3A = arith.constant 0 : index
    %swap3A_29 = arith.constant 0 : index
    %swap3A_30 = vector.load %arg6[%swap3A, %swap3A_29] : memref<1024x128xf32, #tpu.memory_space<vmem>>, vector<1024x128xf32>
    tpu.vector_store %arg6[%swap3A, %swap3A_29], %mul3A_28 {strides = array<i32>} : memref<1024x128xf32, #tpu.memory_space<vmem>>, vector<1024x128xf32>,
    return
  }
  func.func @transform_0(%arg0: i32) -> (i32, i32) {
    %c0_i32 = arith.constant 0 : i32
    %c0_i32_0 = arith.constant 0 : i32
    return %arg0, %c0_i32 : i32, i32
  }
  func.func @transform_1(%arg0: i32) -> (i32, i32) {
    %c0_i32 = arith.constant 0 : i32
    %c0_i32_0 = arith.constant 0 : i32
    return %arg0, %c0_i32 : i32, i32
  }
  func.func @transform_2(%arg0: i32) -> (i32, i32, i32) {
    %c0_i32 = arith.constant 0 : i32
    %c0_i32_0 = arith.constant 0 : i32
    %c0_i32_1 = arith.constant 0 : i32
    return %c0_i32, %arg0, %c0_i32_0 : i32, i32, i32
  }
  func.func @transform_3(%arg0: i32) -> (i32, i32) {
    %c0_i32 = arith.constant 0 : i32
    %c0_i32_0 = arith.constant 0 : i32
    %c0_i32_1 = arith.constant 0 : i32
    return %c0_i32, %c0_i32_0 : i32, i32
  }
  func.func @transform_4(%arg0: i32) -> (i32, i32) {
    %c0_i32 = arith.constant 0 : i32
    %c0_i32_0 = arith.constant 0 : i32
    %c0_i32_1 = arith.constant 0 : i32
    return %c0_i32, %c0_i32_0 : i32, i32
  }
  func.func @transform_5(%arg0: i32) -> (i32, i32) {
    %c0_i32 = arith.constant 0 : i32
    %c0_i32_0 = arith.constant 0 : i32
    return %arg0, %c0_i32 : i32, i32
  }
}

module attributes {stable_mosaic.version = 14 : i64} {
  func.func @_out_body(%arg0: i32, %arg1: memref<1024x128xf32, #tpu.memory_space<vmem>>, %arg2: memref<1024x128xf32, #tpu.memory_space<vmem>>, %arg3: memref<2x1024x16xf32, #tpu.memory_space<vmem>>, %arg4: memref<1x128xf32, #tpu.memory_space<vmem>>, %arg5: memref<1024x128xf32, #tpu.memory_space<vmem>>) attributes {dimension_semantics = [#tpu.dimension_semantics<arbitrary>], iteration_bounds = array<i64: 10>, scalar_prefetch = 0 : i64, scratch_operands = 0 : i64, tpu.core_type = #tpu.core_type<tc>, window_params = [{transform_indices = @transform_0, window_bounds = array<i64: 1024, 128>}, {transform_indices = @transform_1, window_bounds = array<i64: 1024, 128>}, {transform_indices = @transform_2, window_bounds = array<i64: 2, 1024, 16>}, {pipeline_mode = #tpu.pipeline_mode<synchronous>, transform_indices = @transform_3, window_bounds = array<i64: 1, 128>}, {transform_indices = @transform_4, window_bounds = array<i64: 1024, 128>}]} {
    %get3A = arith.constant 0 : index
    %get3A_0 = arith.constant 0 : index
    %get3A_1 = arith.constant 0 : index
    %get3A_2 = vector.load %arg3[%get3A, %get3A_0, %get3A_1] : memref<2x1024x16xf32, #tpu.memory_space<vmem>>, vector<2x1024x16xf32>
    %slice3A = vector.extract_strided_slice %get3A_2 {offsets = [0, 0, 0], sizes = [1, 1024, 1], strides = [1, 1, 1]} : vector<2x1024x16xf32> to vector<1x1024x1xf32>
    %squeeze3A = vector.shape_cast %slice3A : vector<1x1024x1xf32> to vector<1024x1xf32>
    %slice3A_3 = vector.extract_strided_slice %get3A_2 {offsets = [1, 0, 0], sizes = [1, 1024, 1], strides = [1, 1, 1]} : vector<2x1024x16xf32> to vector<1x1024x1xf32>
    %squeeze3A_4 = vector.shape_cast %slice3A_3 : vector<1x1024x1xf32> to vector<1024x1xf32>
    %add3A = arith.addf %squeeze3A, %squeeze3A_4 : vector<1024x1xf32>
    %add3A_5 = arith.constant 1.000000e+00 : f32
    %add3A_6 = vector.broadcast %add3A_5 : f32 to vector<1024x1xf32>
    %add3A_7 = arith.addf %add3A, %add3A_6 : vector<1024x1xf32>
    %rsqrt3A = math.rsqrt %add3A_7 : vector<1024x1xf32>
    %get3A_8 = arith.constant 0 : index
    %get3A_9 = arith.constant 0 : index
    %get3A_10 = vector.load %arg1[%get3A_8, %get3A_9] : memref<1024x128xf32, #tpu.memory_space<vmem>>, vector<1024x128xf32>
    %get3A_11 = arith.constant 0 : index
    %get3A_12 = arith.constant 0 : index
    %get3A_13 = vector.load %arg2[%get3A_11, %get3A_12] : memref<1024x128xf32, #tpu.memory_space<vmem>>, vector<1024x128xf32>
    %add3A_14 = arith.addf %get3A_10, %get3A_13 : vector<1024x128xf32>
    %mul3A = vector.broadcast %rsqrt3A : vector<1024x1xf32> to vector<1024x128xf32>
    %mul3A_15 = arith.mulf %mul3A, %add3A_14 : vector<1024x128xf32>
    %get3A_16 = arith.constant 0 : index
    %get3A_17 = arith.constant 0 : index
    %get3A_18 = vector.load %arg4[%get3A_16, %get3A_17] : memref<1x128xf32, #tpu.memory_space<vmem>>, vector<1x128xf32>
    %add3A_19 = vector.broadcast %get3A_18 : vector<1x128xf32> to vector<1024x128xf32>
    %add3A_20 = arith.addf %mul3A_15, %add3A_19 : vector<1024x128xf32>
    %swap3A = arith.constant 0 : index
    %swap3A_21 = arith.constant 0 : index
    %swap3A_22 = vector.load %arg5[%swap3A, %swap3A_21] : memref<1024x128xf32, #tpu.memory_space<vmem>>, vector<1024x128xf32>
    tpu.vector_store %arg5[%swap3A, %swap3A_21], %add3A_20 {strides = array<i32>} : memref<1024x128xf32, #tpu.memory_space<vmem>>, vector<1024x128xf32>,
    return
  }
  func.func @transform_0(%arg0: i32) -> (i32, i32) {
    %c0_i32 = arith.constant 0 : i32
    %c0_i32_0 = arith.constant 0 : i32
    return %arg0, %c0_i32 : i32, i32
  }
  func.func @transform_1(%arg0: i32) -> (i32, i32) {
    %c0_i32 = arith.constant 0 : i32
    %c0_i32_0 = arith.constant 0 : i32
    return %arg0, %c0_i32 : i32, i32
  }
  func.func @transform_2(%arg0: i32) -> (i32, i32, i32) {
    %c0_i32 = arith.constant 0 : i32
    %c0_i32_0 = arith.constant 0 : i32
    %c0_i32_1 = arith.constant 0 : i32
    return %c0_i32, %arg0, %c0_i32_0 : i32, i32, i32
  }
  func.func @transform_3(%arg0: i32) -> (i32, i32) {
    %c0_i32 = arith.constant 0 : i32
    %c0_i32_0 = arith.constant 0 : i32
    %c0_i32_1 = arith.constant 0 : i32
    return %c0_i32, %c0_i32_0 : i32, i32
  }
  func.func @transform_4(%arg0: i32) -> (i32, i32) {
    %c0_i32 = arith.constant 0 : i32
    %c0_i32_0 = arith.constant 0 : i32
    return %arg0, %c0_i32 : i32, i32
  }
}

</mosaic_0001>

<sc_bundles>
// kernel: kernel.11.cloned.1.call-start
scs
__scs_entry_jumppad:
0x0: {  	(pc) =	sbr.rel $0x88, $3  }
0x1: {  	(tag) =	ssettag $0x0;
	lr =	simm.s32 $0x1  }
0x2: {  	[smem:$0x3F9B] =	sst lr;
	_ =	strace $0xD0000000  }
0x3: {  	_ = 	snop  }
0x4: {  	_ = 	snop  }
0x5: {  	_ = 	snop  }
0x6: {  	_ = 	snop  }
0x7: {  	_ = 	snop  }
__scs_overlays_trampoline_lowered:
0x8: {  	[smem:$0x3FAA] =	sst s0  }
0x9: {  	[smem:$0x3FAB] =	sst s1  }
0xa: {  	[smem:$0x3FAC] =	sst s2  }
0xb: {  	[smem:$0x3FAD] =	sst s3  }
0xc: {  	[smem:$0x3FAE] =	sst s4  }
0xd: {  	[smem:$0x3FAF] =	sst s5  }
0xe: {  	[smem:$0x3FB0] =	sst s6  }
0xf: {  	[smem:$0x3FB1] =	sst s7  }
0x10: {  	[smem:$0x3FB2] =	sst s8  }
0x11: {  	[smem:$0x3FB3] =	sst s9;
	s0 =	simm.s32 @!p0 $0x0  }
0x12: {  	s1 =	sld [smem:$0x3F99];
	s0 =	simm.s32 @p0 $0x1  }
0x13: {  	[smem:$0x3FB4] =	sst s0;
	s0 =	simm.s32 @!p1 $0x0  }
0x14: {  	s2 =	sld [smem:$0x3F98];
	s0 =	simm.s32 @p1 $0x1  }
0x15: {  	[smem:$0x3FB5] =	sst s0;
	s0 =	simm.s32 @!p2 $0x0  }
0x16: {  	s3 =	sld [smem:$0x3FDB];
	s0 =	simm.s32 @p2 $0x1  }
0x17: {  	s4 =	simm.s32 $0x1BF5;
	[smem:$0x3FB7] =	sst s0  }
0x18: {  	s0 =	sld [smem:$0x3F9A];
	_ =	swait.ge [sflag:s4], $0x0  }
0x19: {  	s7 =	sld [smem:$0x3F9B]  }
0x1a: {  	s8 =	sadd.s32 $0xFFFFE003, lr  }
0x1b: {  	s9 =	sadd.s32 $0xFFFFFEF7, lr;
	s5 =	simm.s32 $0xFFFFFFFF;
	p2 =	slt.u32 s8, $0xFFFFF086  }
0x1c: {  	p1 =	slt.u32 s9, $0xF7A;
	s5 =	simm.s32 @!p2 $0x0  }
0x1d: {  	s5 =	simm.s32 @p1 $0x1;
	p0 =	seq.s32 s7, s2  }
0x1e: {  	s7 =	smul.u32 @!p0 $0xF7A, s2;
	p2 =	seq.s32 @!p0 s5, $0x0  }
0x1f: {  	s9 =	smul.u32 $0xF7A, s1;
	s8 =	simm.s32 @!p0 $0x1BF5;
	p2 =	por !p2, p0  }
0x20: {  	[sflag:s8] =	ssyncset.s32 @!p0 $0xFFFFF086;
	s6 =	sadd.s32 @!p0 s3, s7;
	s7 =	simm.s32 @!p0 $0x108  }
0x21: {  	s3 =	sadd.s32 s3, s9;
	s6 =	sadd.s32 @!p0 $0x88, s6;
	s7 =	simm.s32 @p2 $0x1082  }
0x22: {  	[simem:s7], [sflag:s8] =	dma.local @!p0 [hbm:s6], $0xF7A  }
0x23: {  	s9 =	sor.u32 $0xD0000000, s2;
	s6 =	simm.s32 $0x108;
	_ =	swait.ge @!p0 [sflag:s8], $0x0  }
0x24: {  	s3 =	sadd.s32 $0x88, s3;
	s6 =	simm.s32 @!p1 $0x1082;
	[sflag:s4] =	ssyncset.s32 $0xFFFFF086  }
0x25: {  	[simem:s6], [sflag:s4] =	dma.local [hbm:s3], $0xF7A  }
0x26: {  	[smem:$0x3F9B] =	sst s1;
	(tag) =	ssettag s2;
	_ =	strace s9  }
0x27: {  	s1 =	sld [smem:$0x3FAB]  }
0x28: {  	s2 =	sld [smem:$0x3FAC]  }
0x29: {  	s4 =	sld [smem:$0x3FAE]  }
0x2a: {  	p0 =	seq.s32 s5, $0x0;
	s5 =	sld [smem:$0x3FAF]  }
0x2b: {  	s6 =	sld [smem:$0x3FB0]  }
0x2c: {  	s7 =	sld [smem:$0x3FB1]  }
0x2d: {  	s3 =	simm.s32 $0x108;
	s8 =	sld [smem:$0x3FB2]  }
0x2e: {  	s3 =	simm.s32 @!p0 $0x1082;
	s9 =	sld [smem:$0x3FB3]  }
0x2f: {  	lr =	sadd.s32 s0, s3;
	s0 =	sld [smem:$0x3FAA]  }
0x30: {  	s3 =	sld [smem:$0x3FAD]  }
0x31: {  	[smem:$0x3FB6] =	sst s10  }
0x32: {  	s10 =	sld [smem:$0x3FB4];
	_ =	sdelay $0x3  }
0x33: {  	p0 =	seq.s32 s10, $0x1;
	s10 =	sld [smem:$0x3FB6];
	_ =	sdelay $0x3  }
0x34: {  	[smem:$0x3FB6] =	sst s10  }
0x35: {  	s10 =	sld [smem:$0x3FB5];
	_ =	sdelay $0x3  }
0x36: {  	p1 =	seq.s32 s10, $0x1;
	s10 =	sld [smem:$0x3FB6];
	_ =	sdelay $0x3  }
0x37: {  	[smem:$0x3FB6] =	sst s10  }
0x38: {  	s10 =	sld [smem:$0x3FB7]  }
0x39: {  	_ = 	snop;
	(pc) =	sbr.ind lr, $3  }
0x3a: {  	_ = 	snop  }
0x3b: {  	_ = 	snop  }
0x3c: {  	p2 =	seq.s32 s10, $0x1;
	s10 =	sld [smem:$0x3FB6]  }
0x3d: {  	_ =	shalt  }
0x3e: {  	_ =	shalt  }
0x3f: {  	_ =	shalt  }
0x40: {  	_ =	shalt  }
0x41: {  	_ =	shalt  }
0x42: {  	_ =	shalt  }
0x43: {  	_ =	shalt  }
0x44: {  	_ =	shalt  }
0x45: {  	_ =	shalt  }
0x46: {  	_ =	shalt  }
0x47: {  	_ =	shalt  }
0x48: {  	_ =	shalt  }
0x49: {  	_ =	shalt  }
0x4a: {  	_ =	shalt  }
0x4b: {  	_ =	shalt  }
0x4c: {  	_ =	shalt  }
0x4d: {  	_ =	shalt  }
0x4e: {  	_ =	shalt  }
0x4f: {  	_ =	shalt  }
0x50: {  	_ =	shalt  }
0x51: {  	_ =	shalt  }
0x52: {  	_ =	shalt  }
0x53: {  	_ =	shalt  }
0x54: {  	_ =	shalt  }
0x55: {  	_ =	shalt  }
0x56: {  	_ =	shalt  }
0x57: {  	_ =	shalt  }
0x58: {  	_ =	shalt  }
0x59: {  	_ =	shalt  }
0x5a: {  	_ =	shalt  }
0x5b: {  	_ =	shalt  }
0x5c: {  	_ =	shalt  }
0x5d: {  	_ =	shalt  }
0x5e: {  	_ =	shalt  }
0x5f: {  	_ =	shalt  }
0x60: {  	_ =	shalt  }
0x61: {  	_ =	shalt  }
0x62: {  	_ =	shalt  }
0x63: {  	_ =	shalt  }
0x64: {  	_ =	shalt  }
0x65: {  	_ =	shalt  }
0x66: {  	_ =	shalt  }
0x67: {  	_ =	shalt  }
0x68: {  	_ =	shalt  }
0x69: {  	_ =	shalt  }
0x6a: {  	_ =	shalt  }
0x6b: {  	_ =	shalt  }
0x6c: {  	_ =	shalt  }
0x6d: {  	_ =	shalt  }
0x6e: {  	_ =	shalt  }
0x6f: {  	_ =	shalt  }
0x70: {  	_ =	shalt  }
0x71: {  	_ =	shalt  }
0x72: {  	_ =	shalt  }
0x73: {  	_ =	shalt  }
0x74: {  	_ =	shalt  }
0x75: {  	_ =	shalt  }
0x76: {  	_ =	shalt  }
0x77: {  	_ =	shalt  }
0x78: {  	_ =	shalt  }
0x79: {  	_ =	shalt  }
0x7a: {  	_ =	shalt  }
0x7b: {  	_ =	shalt  }
0x7c: {  	_ =	shalt  }
0x7d: {  	_ =	shalt  }
0x7e: {  	_ =	shalt  }
0x7f: {  	_ =	shalt  }
0x80: {  	_ =	shalt  }
0x81: {  	_ =	shalt  }
0x82: {  	_ =	shalt  }
0x83: {  	_ =	shalt  }
0x84: {  	_ =	shalt  }
0x85: {  	_ =	shalt  }
0x86: {  	_ =	shalt  }
0x87: {  	_ =	shalt  }
.Lfunc_end0:
.L_simem_size_0:
called_computation.1_lowered:
.L_overlay_start_0:
0x88: {  	s2 =	sld [smem:$0x3FD9]  }
0x89: {  	s3 =	sld [smem:$0x3FFE];
	_ =	sdelay $0x1  }
0x8a: {  	s1 =	srdreg.scid  }
0x8b: {  	s0 =	sand.u32 $0x1, s1  }
0x8c: {  	s17 =	sshll.u32 s0, $0xA;
	s2 =	sadd.s32 s3, s2  }
0x8d: {  	s2 =	sadd.s32 s2, s17  }
0x8e: {  	[smem:$0x3FC2] =	sst s2  }
0x8f: {  	_ = 	snop  }
0x90: {  	s2 =	sld [smem:$0x3FD0];
	(tm) =	ssettm $0x1  }
0x91: {  	s18 =	sld [smem:$0x3FFB];
	_ =	sdelay $0x3  }
0x92: {  	_ =	strace s18  }
0x93: {  	s3 =	sld [smem:$0x3FFC];
	_ =	sdelay $0x3  }
0x94: {  	_ =	strace s3  }
0x95: {  	s3 =	sld [smem:$0x3FFD];
	_ =	sdelay $0x3  }
0x96: {  	_ =	strace s3  }
0x97: {  	_ =	strace $0x8FFFFFFF  }
0x98: {  	s19 =	sld [smem:$0x3FDB];
	_ =	sdelay $0x1  }
0x99: {  	s4 =	simm.s32 $_scs_section_size  }
0x9a: {  	s5 =	simm.s32 $_size__tile_overlayer_lowered;
	s6 =	simm.s32 $_tile_overlayer_lowered  }
0x9b: {  	s22 =	simm.s32 $0x1BFF;
	s21 =	sshll.u32 s6, $0x1;
	s3 =	sadd.s32 s4, s19  }
0x9c: {  	s7 =	simm.s32 $0x0;
	s20 =	sshll.u32 s5, $0x1;
	s5 =	sadd.s32 s21, s3  }
0x9d: {  	[timem:s7], [sflag:s22] =	dma.local [hbm:s5], s20  }
0x9e: {  	_ =	swait.ge [sflag:s22], s20  }
0x9f: {  	s4 =	ssub.s32 $0x0, s20;
	[sflag:s22] =	ssyncset.done $0x0  }
0xa0: {  	[sflag:s22] =	ssyncadd.s32 s4;
	_ =	sdelay $0x1  }
0xa1: {  	s23 =	simm.s32 $0x1B8B  }
0xa2: {  	_ =	swait.ge [sflag:s23], $0x1  }
0xa3: {  	[sflag:s23] =	ssyncset.done $0x0  }
0xa4: {  	s25 =	simm.s32 $0x1B8E;
	s24 =	sld [smem:$0x3FFE];
	[sflag:s23] =	ssyncadd.s32 $0xFFFFFFFF  }
0xa5: {  	s26 =	simm.s32 $execute0_lowered;
	[smem:$0x3FD2] =	sst s25  }
0xa6: {  	s5 =	sshll.u32 s26, $0x1;
	_ =	strace $0x80000049;
	[dreg:$0x1] =	wrdreg $0xFFFFFFFF  }
0xa7: {  	s28 =	simm.s32 $_size_execute0_lowered;
	s3 =	sadd.s32 s3, s5;
	[dreg:$0x0] =	wrdreg $0x0  }
0xa8: {  	s5 =	sshll.u32 s28, $0x1;
	[dreg:$0x2] =	wrdreg s3  }
0xa9: {  	[dreg:$0x3] =	wrdreg s5  }
0xaa: {  	[dreg:$0x4] =	wrdreg $0xC0  }
0xab: {  	_ =	task [dreg:s7], $0x5FFFF  }
0xac: {  	[dreg:$0x1] =	wrdreg $0xFFFFFFFF  }
0xad: {  	[dreg:$0x0] =	wrdreg $0x60  }
0xae: {  	[dreg:$0x2] =	wrdreg s24  }
0xaf: {  	[dreg:$0x3] =	wrdreg s2  }
0xb0: {  	[dreg:$0x4] =	wrdreg $0x68000  }
0xb1: {  	[dreg:$0x5] =	wrdreg $0x108000  }
0xb2: {  	[dreg:$0x6] =	wrdreg $0x9  }
0xb3: {  	_ =	task.clear_ibuf [dreg:s7], $0x7FFFF;
	_ =	strace $0x90000049  }
0xb4: {  	s29 =	simm.s32 $0x9;
	_ =	strace $0x8000004B  }
0xb5: {  	_ =	swait.ge [sflag:s29], $0x1  }
0xb6: {  	[sflag:s29] =	ssyncadd.s32 $0xFFFFFFFF  }
0xb7: {  	_ =	strace $0x9000004B  }
0xb8: {  	_ =	sfence  }
0xb9: {  	s30 =	sld [smem:$0x0];
	_ =	sdelay $0x2  }
0xba: {  	s31 =	sshll.u32 s1, $0xD;
	s1 =	sshrl.u32 s1, $0x2  }
0xbb: {  	s3 =	sand.u32 $0x4000, s31;
	s1 =	sadd.s32 s1, s30  }
0xbc: {  	s0 =	sor.u32 s3, s0;
	s1 =	sshll.u32 s1, $0x11  }
0xbd: {  	s0 =	sor.u32 s1, s0  }
0xbe: {  	s0 =	sadd.s32 $0x8F2B, s0  }
0xbf: {  	[sflag:s0] =	ssyncadd.remote.s32 $0x1  }
0xc0: {  	_ =	sfence.sel $0xFFFF  }
0xc1: {  	[dreg:$0x0] =	wrdreg $0xFFFFFFFF;
	(pc) =	sbr.abs _section_cstart, $3  }
0xc2: {  	[dreg:$0x1] =	wrdreg $0xFFFFFFFF  }
0xc3: {  	_ =	task.clear_ibuf [dreg:s7], $0x2FFFF;
	_ =	strace $0x9FFFFFFF  }
0xc4: {  	(tm) =	ssettm $0x7FFFFFFF  }
0xc5: {  	_ =	shalt  }
tec
execute0_lowered:
.L_overlay_start_1:
0x0: {  	(tag) =	ssettag $0x1  }
0x1: {  	s0 =	rddreg [dreg:$0x0]  }
0x2: {  	s1 =	rddreg [dreg:$0x1]  }
0x3: {  	s2 =	rddreg [dreg:$0x2]  }
0x4: {  	s3 =	rddreg [dreg:$0x3];
	s10 =	stileid.u32  }
0x5: {  	s5 =	srdreg.scid;
	s4 =	simm.s32 $0x0;
	s17 =	simm.s32 $0x1  }
0x6: {  	s18 =	simm.s32 $0x8;
	s19 =	simm.s32 $0x10;
	s20 =	simm.s32 $0x3  }
0x7: {  	s21 =	simm.s32 $0x2800;
	s22 =	simm.s32 $0x1400;
	s9 =	smul.u32 $0xA00, s10  }
0x8: {  	s28 =	simm.s32 $0x1380;
	s29 =	simm.s32 $0x2700;
	s6 =	smul.u32 $0x14000, s10  }
0x9: {  	s30 =	simm.s32 $0x2780;
	s5 =	sand.u32 $0x1, s5;
	s11 =	smul.u32 $0xA000, s10  }
0xa: {  	[smem:$0x7FF] =	sst s4;
	s24 =	smul.u32 $0x28000, s10;
	s25 =	sshll.u32 s10, $0x6  }
0xb: {  	s7 =	sshll.u32 s5, $0x6;
	_ =	strace $0x8000004A;
	s5 =	ssub.s32 $0x2, s5  }
0xc: {  	s8 =	sadd.s32 s9, s0;
	s6 =	sor.u32 s7, s6;
	s23 =	sshrl.u32 s5, $0x1  }
0xd: {  	s16 =	sadd.s32 s11, s2;
	s7 =	sshrl.u32 s24, $0x2;
	s9 =	sadd.s32 s1, s9  }
0xe: {  	s31 =	sadd.s32 s11, s3;
	s24 =	simm.s32 $0x4800;
	s6 =	sshrl.u32 s6, $0x3  }
0xf: {  	s12 =	ssub.s32 s5, s23;
	s7 =	sadd.s32 s7, s3;
	s8 =	sadd.s32 $0xDA00, s8  }
0x10: {  	s16 =	sshrl.u32 s16, $0x3;
	s23 =	simm.s32 $0x80;
	s0 =	sadd.s32 s6, s0  }
0x11: {  	s6 =	sor.u32 $0x1C03, s25;
	s11 =	smax.u32 s12, $0x1;
	s12 =	sadd.s32 $0x2000, s7  }
0x12: {  	s13 =	sadd.s32 $0x4000, s7;
	s14 =	sadd.s32 $0x6000, s7;
	s26 =	sadd.s32 $0x67A00, s0  }
0x13: {  	s15 =	sadd.s32 $0x8000, s7;
	s0 =	sadd.s32 $0x8FA00, s0;
	[dreg:$0x5] =	wrdreg s26  }
0x14: {  	v0 =	vimm.f32 $0.0e+00;
	s25 =	sshrl.u32 s31, $0x3;
	[dreg:$0x6] =	wrdreg s0;
	s26 =	simm.s32 $0x2  }
.LBB2_1:
0x15: {  	s0 =	rddreg [dreg:$0x5]  }
0x16: {  	[spmem:s16@s18], [sflag:s6] =	dma.strided [hbm:s0@s19], $0x1400, s17, $0x8   }
0x17: {  	_ =	swait.ge [sflag:s20], $0x1400  }
0x18: {  	[sflag:s20] =	ssyncset.done $0x0  }
0x19: {  	s1 =	simm.s32 $0x100;
	s0 =	simm.s32 $0x0;
	[sflag:s20] =	ssyncadd.s32 $0xFFFFEC00  }
.LBB2_2:
0x1a: {  	p0 =	sne.s32 s1, $0x7F00;
	[tilespmem:s0+$0x2830] =	vst v0;
	s31 =	smov.u32 s1;
	s1 =	sadd.s32 $0x100, s1  }
.Ltmp0:
0x1b: {  	[tilespmem:s0+$0x2820] =	vst v0;
	(pc) =	sbr.rel @p0 .LBB2_2-.Ltmp0, $3  }
0x1c: {  	[tilespmem:s0+$0x2800] =	vst v0  }
0x1d: {  	[tilespmem:s0+$0x2810] =	vst v0;
	_ =	sdelay $0x1  }
0x1e: {  	s0 =	sshra.s32 s31, $0x2  }
0x1f: {  	[tilespmem:s0+$0x2830] =	vst v0  }
0x20: {  	[tilespmem:s0+$0x2820] =	vst v0  }
0x21: {  	[tilespmem:s0+$0x2800] =	vst v0  }
0x22: {  	[tilespmem:s0+$0x2810] =	vst v0  }
0x23: {  	[spmem:s7] =	stream.linear.scatter [tilespmem:s21], [sflag:$0x3], $0x2000, $0x38;
	[tilespmem:$0x1A800] =	vst v63  }
0x24: {  	_ =	swait.ge [sflag:s20], $0x2000  }
0x25: {  	[sflag:s20] =	ssyncset.done $0x0  }
0x26: {  	[sflag:s20] =	ssyncadd.s32 $0xFFFFE000  }
0x27: {  	[spmem:s12] =	stream.linear.scatter [tilespmem:s21], [sflag:$0x3], $0x2000, $0x38;
	[tilespmem:$0x1A800] =	vst v63  }
0x28: {  	_ =	swait.ge [sflag:s20], $0x2000  }
0x29: {  	[sflag:s20] =	ssyncset.done $0x0  }
0x2a: {  	[sflag:s20] =	ssyncadd.s32 $0xFFFFE000  }
0x2b: {  	[spmem:s13] =	stream.linear.scatter [tilespmem:s21], [sflag:$0x3], $0x2000, $0x38;
	[tilespmem:$0x1A800] =	vst v63  }
0x2c: {  	_ =	swait.ge [sflag:s20], $0x2000  }
0x2d: {  	[sflag:s20] =	ssyncset.done $0x0  }
0x2e: {  	[sflag:s20] =	ssyncadd.s32 $0xFFFFE000  }
0x2f: {  	[spmem:s14] =	stream.linear.scatter [tilespmem:s21], [sflag:$0x3], $0x2000, $0x38;
	[tilespmem:$0x1A800] =	vst v63  }
0x30: {  	_ =	swait.ge [sflag:s20], $0x2000  }
0x31: {  	[sflag:s20] =	ssyncset.done $0x0  }
0x32: {  	[sflag:s20] =	ssyncadd.s32 $0xFFFFE000  }
0x33: {  	[spmem:s15] =	stream.linear.scatter [tilespmem:s21], [sflag:$0x3], $0x2000, $0x38;
	[tilespmem:$0x1A800] =	vst v63  }
0x34: {  	_ =	swait.ge [sflag:s20], $0x2000  }
0x35: {  	[sflag:s20] =	ssyncset.done $0x0  }
0x36: {  	[sflag:s20] =	ssyncadd.s32 $0xFFFFE000  }
0x37: {  	s31 =	simm.s32 $0x0;
	s0 =	simm.s32 $0x0;
	[bflag:$0x0] =	sbarrier.arrive $0xFFFF  }
.LBB2_4:
0x38: {  	s1 =	smul.u32 $0x280, s0;
	_ =	sdelay $0x1  }
0x39: {  	s5 =	sadd.s32 s1, s8  }
0x3a: {  	[tilespmem:s31], [sflag:$0x3] =	stream.linear.gather [hbm4b:s5+s31], $0x1400, $0x38;
	[tilespmem:$0x1A800] =	vst v63  }
0x3b: {  	_ =	swait.ge [sflag:s20], $0x1400  }
0x3c: {  	[sflag:s20] =	ssyncset.done $0x0  }
0x3d: {  	s1 =	sadd.s32 s1, s9;
	[sflag:s20] =	ssyncadd.s32 $0xFFFFEC00  }
0x3e: {  	[tilespmem:s22], [sflag:$0x3] =	stream.linear.gather [hbm4b:s1+s31], $0x1400, $0x38;
	[tilespmem:$0x1A800] =	vst v63  }
0x3f: {  	_ =	swait.ge [sflag:s20], $0x1400  }
0x40: {  	[sflag:s20] =	ssyncset.done $0x0  }
0x41: {  	[sflag:s20] =	ssyncadd.s32 $0xFFFFEC00  }
0x42: {  	[tilespmem:s21], [sflag:$0x1] =	stream.indirect.gather [spmem:s2], $0x40, s31, s23, $0xb8;
	[tilespmem:$0x1A800] =	vst v63  }
0x43: {  	_ =	swait.ge [sflag:s17], $0x2000  }
0x44: {  	[sflag:s17] =	ssyncset.done $0x0  }
0x45: {  	s5 =	simm.s32 $0x80;
	[sflag:s17] =	ssyncadd.s32 $0xFFFFE000  }
0x46: {  	[tilespmem:s24], [sflag:$0x2] =	stream.indirect.gather [spmem:s2], $0x40, s5, s23, $0xb8;
	[tilespmem:$0x1A800] =	vst v63  }
0x47: {  	s10 =	simm.s32 $0x1400  }
0x48: {  	[spmem:s3] =	stream.indirect.scatter.add.f32 [tilespmem:s21], [sflag:$0x3], $0x40, s10, s23, $0xb8;
	[tilespmem:$0x1A800] =	vst v63  }
0x49: {  	_ =	swait.ge [sflag:s20], $0x2000  }
0x4a: {  	[sflag:s20] =	ssyncset.done $0x0  }
0x4b: {  	[sflag:s20] =	ssyncadd.s32 $0xFFFFE000  }
0x4c: {  	_ =	swait.ge [sflag:s26], $0x2000  }
0x4d: {  	[sflag:s26] =	ssyncset.done $0x0  }
0x4e: {  	s5 =	simm.s32 $0x100;
	[sflag:s26] =	ssyncadd.s32 $0xFFFFE000  }
0x4f: {  	[tilespmem:s21], [sflag:$0x1] =	stream.indirect.gather [spmem:s2], $0x40, s5, s23, $0xb8;
	[tilespmem:$0x1A800] =	vst v63  }
0x50: {  	s10 =	simm.s32 $0x1480  }
0x51: {  	[spmem:s3] =	stream.indirect.scatter.add.f32 [tilespmem:s24], [sflag:$0x3], $0x40, s10, s23, $0xb8;
	[tilespmem:$0x1A800] =	vst v63  }
0x52: {  	_ =	swait.ge [sflag:s20], $0x2000  }
0x53: {  	s1 =	simm.s32 $0x400;
	[sflag:s20] =	ssyncset.done $0x0  }
.LBB2_5:
0x54: {  	p0 =	sne.s32 s1, $0x4800  }
0x55: {  	[sflag:s20] =	ssyncadd.s32 $0xFFFFE000;
	s5 =	smov.u32 s1;
	s1 =	sadd.s32 $0x400, s1  }
0x56: {  	_ = 	snop  }
0x57: {  	_ =	swait.ge [sflag:s17], $0x2000  }
0x58: {  	s5 =	sshra.s32 s5, $0x2;
	[sflag:s17] =	ssyncset.done $0x0  }
0x59: {  	s10 =	sadd.s32 $0x80, s5;
	[sflag:s17] =	ssyncadd.s32 $0xFFFFE000  }
0x5a: {  	[tilespmem:s24], [sflag:$0x2] =	stream.indirect.gather [spmem:s2], $0x40, s10, s23, $0xb8;
	[tilespmem:$0x1A800] =	vst v63  }
0x5b: {  	s10 =	sadd.s32 $0x1400, s5  }
0x5c: {  	[spmem:s3] =	stream.indirect.scatter.add.f32 [tilespmem:s21], [sflag:$0x3], $0x40, s10, s23, $0xb8;
	[tilespmem:$0x1A800] =	vst v63  }
0x5d: {  	_ =	swait.ge [sflag:s20], $0x2000  }
0x5e: {  	[sflag:s20] =	ssyncset.done $0x0  }
0x5f: {  	[sflag:s20] =	ssyncadd.s32 $0xFFFFE000  }
0x60: {  	_ =	swait.ge [sflag:s26], $0x2000  }
0x61: {  	[sflag:s26] =	ssyncset.done $0x0  }
0x62: {  	s10 =	sadd.s32 $0x100, s5;
	[sflag:s26] =	ssyncadd.s32 $0xFFFFE000  }
0x63: {  	[tilespmem:s21], [sflag:$0x1] =	stream.indirect.gather [spmem:s2], $0x40, s10, s23, $0xb8;
	[tilespmem:$0x1A800] =	vst v63  }
.Ltmp1:
0x64: {  	_ = 	snop;
	(pc) =	sbr.rel @p0 .LBB2_5-.Ltmp1, $4  }
0x65: {  	s5 =	sadd.s32 $0x1480, s5  }
0x66: {  	[spmem:s3] =	stream.indirect.scatter.add.f32 [tilespmem:s24], [sflag:$0x3], $0x40, s5, s23, $0xb8;
	[tilespmem:$0x1A800] =	vst v63  }
0x67: {  	_ =	swait.ge [sflag:s20], $0x2000  }
0x68: {  	[sflag:s20] =	ssyncset.done $0x0  }
0x69: {  	[sflag:s20] =	ssyncadd.s32 $0xFFFFE000  }
0x6a: {  	_ =	swait.ge [sflag:s17], $0x2000  }
0x6b: {  	[sflag:s17] =	ssyncset.done $0x0  }
0x6c: {  	[sflag:s17] =	ssyncadd.s32 $0xFFFFE000  }
0x6d: {  	[tilespmem:s24], [sflag:$0x2] =	stream.indirect.gather [spmem:s2], $0x40, s28, s23, $0xb8;
	[tilespmem:$0x1A800] =	vst v63  }
0x6e: {  	_ = 	snop  }
0x6f: {  	[spmem:s3] =	stream.indirect.scatter.add.f32 [tilespmem:s21], [sflag:$0x3], $0x40, s29, s23, $0xb8;
	[tilespmem:$0x1A800] =	vst v63  }
0x70: {  	_ =	swait.ge [sflag:s20], $0x2000  }
0x71: {  	[sflag:s20] =	ssyncset.done $0x0  }
0x72: {  	[sflag:s20] =	ssyncadd.s32 $0xFFFFE000  }
0x73: {  	s0 =	sadd.s32 $0x1, s0;
	_ =	swait.ge [sflag:s26], $0x2000  }
0x74: {  	p0 =	sne.s32 s0, $0x4;
	[sflag:s26] =	ssyncset.done $0x0  }
.Ltmp2:
0x75: {  	[sflag:s26] =	ssyncadd.s32 $0xFFFFE000;
	(pc) =	sbr.rel @p0 .LBB2_4-.Ltmp2, $4  }
0x76: {  	[spmem:s3] =	stream.indirect.scatter.add.f32 [tilespmem:s24], [sflag:$0x3], $0x40, s30, s23, $0xb8;
	[tilespmem:$0x1A800] =	vst v63  }
0x77: {  	_ =	swait.ge [sflag:s20], $0x2000  }
0x78: {  	[sflag:s20] =	ssyncset.done $0x0  }
0x79: {  	[sflag:s20] =	ssyncadd.s32 $0xFFFFE000  }
0x7a: {  	s4 =	sadd.s32 $0x1, s4  }
0x7b: {  	[bflag:$0x0] =	sbarrier.arrive $0xFFFF;
	p0 =	sne.s32 s4, s11  }
.Ltmp3:
0x7c: {  	s0 =	rddreg [dreg:$0x6];
	(pc) =	sbr.rel @p0 .LBB2_1-.Ltmp3, $4  }
0x7d: {  	[hbm:s0@s19], [sflag:s6] =	dma.strided [spmem:s25@s18], $0x1400, s17, $0x8   }
0x7e: {  	_ =	swait.ge [sflag:s20], $0x1400  }
0x7f: {  	[sflag:s20] =	ssyncset.done $0x0  }
0x80: {  	[sflag:s20] =	ssyncadd.s32 $0xFFFFEC00  }
0x81: {  	_ =	sfence.sel $0x180000  }
0x82: {  	[bflag:$0x0] =	sbarrier.arrive $0xFFFF  }
0x83: {  	_ =	strace $0x9000004A  }
0x84: {  	s0 =	stileid.u32;
	[bflag:$0x2] =	sbarrier.arrive $0xFFFF  }
0x85: {  	p0 =	sne.s32 s0, $0x0;
	s0 =	rddreg [dreg:$0x4]  }
0x86: {  	s0 =	sadd.s32 @!p0 $0x100000, s0  }
0x87: {  	[sflag:s0] =	ssyncadd.tile.s32 @!p0 $0x1;
	_ =	shalt  }
.Lfunc_end2:
_tile_overlayer_lowered:
.L_overlay_start_2:
0x88: {  	(tag) =	ssettag $0x2  }
0x89: {  	s0 =	rddreg [dreg:$0x0];
	s2 =	stileid.u32  }
0x8a: {  	s1 =	rddreg [dreg:$0x1];
	p0 =	sne.s32 s2, $0x0  }
0x8b: {  	s3 =	rddreg [dreg:$0x2];
	[bflag:$0x3] =	sbarrier.arrive $0xFFFF;
	s2 =	simm.s32 @!p0 $0x1C03  }
0x8c: {  	[timem:s3], [sflag:s2] =	dma.local @!p0 [hbm:s0], s1  }
0x8d: {  	s0 =	simm.s32 @!p0 $0x3  }
0x8e: {  	_ =	swait.ge @!p0 [sflag:s0], s1  }
0x8f: {  	s1 =	ssub.s32 @!p0 $0x0, s1;
	[sflag:s0] =	ssyncset.done @!p0 $0x0  }
0x90: {  	[sflag:s0] =	ssyncadd.s32 @!p0 s1  }
0x91: {  	[bflag:$0x3] =	sbarrier.arrive $0xFFFF  }
0x92: {  	_ =	shalt  }

// kernel: kernel.14.cloned.1.call-start
scs
__scs_entry_jumppad:
0x0: {  	(pc) =	sbr.rel $0x88, $3  }
0x1: {  	(tag) =	ssettag $0x0;
	lr =	simm.s32 $0x1  }
0x2: {  	[smem:$0x3F9B] =	sst lr;
	_ =	strace $0xD0000000  }
0x3: {  	_ = 	snop  }
0x4: {  	_ = 	snop  }
0x5: {  	_ = 	snop  }
0x6: {  	_ = 	snop  }
0x7: {  	_ = 	snop  }
__scs_overlays_trampoline_lowered:
0x8: {  	[smem:$0x3FAA] =	sst s0  }
0x9: {  	[smem:$0x3FAB] =	sst s1  }
0xa: {  	[smem:$0x3FAC] =	sst s2  }
0xb: {  	[smem:$0x3FAD] =	sst s3  }
0xc: {  	[smem:$0x3FAE] =	sst s4  }
0xd: {  	[smem:$0x3FAF] =	sst s5  }
0xe: {  	[smem:$0x3FB0] =	sst s6  }
0xf: {  	[smem:$0x3FB1] =	sst s7  }
0x10: {  	[smem:$0x3FB2] =	sst s8  }
0x11: {  	[smem:$0x3FB3] =	sst s9;
	s0 =	simm.s32 @!p0 $0x0  }
0x12: {  	s1 =	sld [smem:$0x3F99];
	s0 =	simm.s32 @p0 $0x1  }
0x13: {  	[smem:$0x3FB4] =	sst s0;
	s0 =	simm.s32 @!p1 $0x0  }
0x14: {  	s2 =	sld [smem:$0x3F98];
	s0 =	simm.s32 @p1 $0x1  }
0x15: {  	[smem:$0x3FB5] =	sst s0;
	s0 =	simm.s32 @!p2 $0x0  }
0x16: {  	s3 =	sld [smem:$0x3FDB];
	s0 =	simm.s32 @p2 $0x1  }
0x17: {  	s4 =	simm.s32 $0x1BF5;
	[smem:$0x3FB7] =	sst s0  }
0x18: {  	s0 =	sld [smem:$0x3F9A];
	_ =	swait.ge [sflag:s4], $0x0  }
0x19: {  	s7 =	sld [smem:$0x3F9B]  }
0x1a: {  	s8 =	sadd.s32 $0xFFFFE003, lr  }
0x1b: {  	s9 =	sadd.s32 $0xFFFFFEF7, lr;
	s5 =	simm.s32 $0xFFFFFFFF;
	p2 =	slt.u32 s8, $0xFFFFF086  }
0x1c: {  	p1 =	slt.u32 s9, $0xF7A;
	s5 =	simm.s32 @!p2 $0x0  }
0x1d: {  	s5 =	simm.s32 @p1 $0x1;
	p0 =	seq.s32 s7, s2  }
0x1e: {  	s7 =	smul.u32 @!p0 $0xF7A, s2;
	p2 =	seq.s32 @!p0 s5, $0x0  }
0x1f: {  	s9 =	smul.u32 $0xF7A, s1;
	s8 =	simm.s32 @!p0 $0x1BF5;
	p2 =	por !p2, p0  }
0x20: {  	[sflag:s8] =	ssyncset.s32 @!p0 $0xFFFFF086;
	s6 =	sadd.s32 @!p0 s3, s7;
	s7 =	simm.s32 @!p0 $0x108  }
0x21: {  	s3 =	sadd.s32 s3, s9;
	s6 =	sadd.s32 @!p0 $0x88, s6;
	s7 =	simm.s32 @p2 $0x1082  }
0x22: {  	[simem:s7], [sflag:s8] =	dma.local @!p0 [hbm:s6], $0xF7A  }
0x23: {  	s9 =	sor.u32 $0xD0000000, s2;
	s6 =	simm.s32 $0x108;
	_ =	swait.ge @!p0 [sflag:s8], $0x0  }
0x24: {  	s3 =	sadd.s32 $0x88, s3;
	s6 =	simm.s32 @!p1 $0x1082;
	[sflag:s4] =	ssyncset.s32 $0xFFFFF086  }
0x25: {  	[simem:s6], [sflag:s4] =	dma.local [hbm:s3], $0xF7A  }
0x26: {  	[smem:$0x3F9B] =	sst s1;
	(tag) =	ssettag s2;
	_ =	strace s9  }
0x27: {  	s1 =	sld [smem:$0x3FAB]  }
0x28: {  	s2 =	sld [smem:$0x3FAC]  }
0x29: {  	s4 =	sld [smem:$0x3FAE]  }
0x2a: {  	p0 =	seq.s32 s5, $0x0;
	s5 =	sld [smem:$0x3FAF]  }
0x2b: {  	s6 =	sld [smem:$0x3FB0]  }
0x2c: {  	s7 =	sld [smem:$0x3FB1]  }
0x2d: {  	s3 =	simm.s32 $0x108;
	s8 =	sld [smem:$0x3FB2]  }
0x2e: {  	s3 =	simm.s32 @!p0 $0x1082;
	s9 =	sld [smem:$0x3FB3]  }
0x2f: {  	lr =	sadd.s32 s0, s3;
	s0 =	sld [smem:$0x3FAA]  }
0x30: {  	s3 =	sld [smem:$0x3FAD]  }
0x31: {  	[smem:$0x3FB6] =	sst s10  }
0x32: {  	s10 =	sld [smem:$0x3FB4];
	_ =	sdelay $0x3  }
0x33: {  	p0 =	seq.s32 s10, $0x1;
	s10 =	sld [smem:$0x3FB6];
	_ =	sdelay $0x3  }
0x34: {  	[smem:$0x3FB6] =	sst s10  }
0x35: {  	s10 =	sld [smem:$0x3FB5];
	_ =	sdelay $0x3  }
0x36: {  	p1 =	seq.s32 s10, $0x1;
	s10 =	sld [smem:$0x3FB6];
	_ =	sdelay $0x3  }
0x37: {  	[smem:$0x3FB6] =	sst s10  }
0x38: {  	s10 =	sld [smem:$0x3FB7]  }
0x39: {  	_ = 	snop;
	(pc) =	sbr.ind lr, $3  }
0x3a: {  	_ = 	snop  }
0x3b: {  	_ = 	snop  }
0x3c: {  	p2 =	seq.s32 s10, $0x1;
	s10 =	sld [smem:$0x3FB6]  }
0x3d: {  	_ =	shalt  }
0x3e: {  	_ =	shalt  }
0x3f: {  	_ =	shalt  }
0x40: {  	_ =	shalt  }
0x41: {  	_ =	shalt  }
0x42: {  	_ =	shalt  }
0x43: {  	_ =	shalt  }
0x44: {  	_ =	shalt  }
0x45: {  	_ =	shalt  }
0x46: {  	_ =	shalt  }
0x47: {  	_ =	shalt  }
0x48: {  	_ =	shalt  }
0x49: {  	_ =	shalt  }
0x4a: {  	_ =	shalt  }
0x4b: {  	_ =	shalt  }
0x4c: {  	_ =	shalt  }
0x4d: {  	_ =	shalt  }
0x4e: {  	_ =	shalt  }
0x4f: {  	_ =	shalt  }
0x50: {  	_ =	shalt  }
0x51: {  	_ =	shalt  }
0x52: {  	_ =	shalt  }
0x53: {  	_ =	shalt  }
0x54: {  	_ =	shalt  }
0x55: {  	_ =	shalt  }
0x56: {  	_ =	shalt  }
0x57: {  	_ =	shalt  }
0x58: {  	_ =	shalt  }
0x59: {  	_ =	shalt  }
0x5a: {  	_ =	shalt  }
0x5b: {  	_ =	shalt  }
0x5c: {  	_ =	shalt  }
0x5d: {  	_ =	shalt  }
0x5e: {  	_ =	shalt  }
0x5f: {  	_ =	shalt  }
0x60: {  	_ =	shalt  }
0x61: {  	_ =	shalt  }
0x62: {  	_ =	shalt  }
0x63: {  	_ =	shalt  }
0x64: {  	_ =	shalt  }
0x65: {  	_ =	shalt  }
0x66: {  	_ =	shalt  }
0x67: {  	_ =	shalt  }
0x68: {  	_ =	shalt  }
0x69: {  	_ =	shalt  }
0x6a: {  	_ =	shalt  }
0x6b: {  	_ =	shalt  }
0x6c: {  	_ =	shalt  }
0x6d: {  	_ =	shalt  }
0x6e: {  	_ =	shalt  }
0x6f: {  	_ =	shalt  }
0x70: {  	_ =	shalt  }
0x71: {  	_ =	shalt  }
0x72: {  	_ =	shalt  }
0x73: {  	_ =	shalt  }
0x74: {  	_ =	shalt  }
0x75: {  	_ =	shalt  }
0x76: {  	_ =	shalt  }
0x77: {  	_ =	shalt  }
0x78: {  	_ =	shalt  }
0x79: {  	_ =	shalt  }
0x7a: {  	_ =	shalt  }
0x7b: {  	_ =	shalt  }
0x7c: {  	_ =	shalt  }
0x7d: {  	_ =	shalt  }
0x7e: {  	_ =	shalt  }
0x7f: {  	_ =	shalt  }
0x80: {  	_ =	shalt  }
0x81: {  	_ =	shalt  }
0x82: {  	_ =	shalt  }
0x83: {  	_ =	shalt  }
0x84: {  	_ =	shalt  }
0x85: {  	_ =	shalt  }
0x86: {  	_ =	shalt  }
0x87: {  	_ =	shalt  }
.Lfunc_end0:
.L_simem_size_0:
called_computation.2_lowered:
.L_overlay_start_0:
0x88: {  	s2 =	sld [smem:$0x3FD9]  }
0x89: {  	s3 =	sld [smem:$0x3FFE];
	_ =	sdelay $0x1  }
0x8a: {  	s1 =	srdreg.scid  }
0x8b: {  	s0 =	sand.u32 $0x1, s1  }
0x8c: {  	s17 =	sshll.u32 s0, $0xA;
	s2 =	sadd.s32 s3, s2  }
0x8d: {  	s2 =	sadd.s32 s2, s17  }
0x8e: {  	[smem:$0x3FC2] =	sst s2  }
0x8f: {  	_ = 	snop  }
0x90: {  	s2 =	sld [smem:$0x3FD0];
	(tm) =	ssettm $0x1  }
0x91: {  	s18 =	sld [smem:$0x3FFB];
	_ =	sdelay $0x3  }
0x92: {  	_ =	strace s18  }
0x93: {  	s3 =	sld [smem:$0x3FFC];
	_ =	sdelay $0x3  }
0x94: {  	_ =	strace s3  }
0x95: {  	s3 =	sld [smem:$0x3FFD];
	_ =	sdelay $0x3  }
0x96: {  	_ =	strace s3  }
0x97: {  	_ =	strace $0x8FFFFFFF  }
0x98: {  	s19 =	sld [smem:$0x3FDB];
	_ =	sdelay $0x1  }
0x99: {  	s4 =	simm.s32 $_scs_section_size  }
0x9a: {  	s5 =	simm.s32 $_size__tile_overlayer_lowered;
	s6 =	simm.s32 $_tile_overlayer_lowered  }
0x9b: {  	s22 =	simm.s32 $0x1BFF;
	s21 =	sshll.u32 s6, $0x1;
	s3 =	sadd.s32 s4, s19  }
0x9c: {  	s7 =	simm.s32 $0x0;
	s20 =	sshll.u32 s5, $0x1;
	s5 =	sadd.s32 s21, s3  }
0x9d: {  	[timem:s7], [sflag:s22] =	dma.local [hbm:s5], s20  }
0x9e: {  	_ =	swait.ge [sflag:s22], s20  }
0x9f: {  	s4 =	ssub.s32 $0x0, s20;
	[sflag:s22] =	ssyncset.done $0x0  }
0xa0: {  	[sflag:s22] =	ssyncadd.s32 s4;
	_ =	sdelay $0x1  }
0xa1: {  	s23 =	simm.s32 $0x1B8B  }
0xa2: {  	_ =	swait.ge [sflag:s23], $0x1  }
0xa3: {  	[sflag:s23] =	ssyncset.done $0x0  }
0xa4: {  	s25 =	simm.s32 $0x1B8E;
	s24 =	sld [smem:$0x3FFE];
	[sflag:s23] =	ssyncadd.s32 $0xFFFFFFFF  }
0xa5: {  	s26 =	simm.s32 $execute0_lowered;
	[smem:$0x3FD2] =	sst s25  }
0xa6: {  	s5 =	sshll.u32 s26, $0x1;
	_ =	strace $0x8000004C;
	[dreg:$0x1] =	wrdreg $0xFFFFFFFF  }
0xa7: {  	s28 =	simm.s32 $_size_execute0_lowered;
	s3 =	sadd.s32 s3, s5;
	[dreg:$0x0] =	wrdreg $0x0  }
0xa8: {  	s5 =	sshll.u32 s28, $0x1;
	[dreg:$0x2] =	wrdreg s3  }
0xa9: {  	[dreg:$0x3] =	wrdreg s5  }
0xaa: {  	[dreg:$0x4] =	wrdreg $0xC0  }
0xab: {  	_ =	task [dreg:s7], $0x5FFFF  }
0xac: {  	[dreg:$0x1] =	wrdreg $0xFFFFFFFF  }
0xad: {  	[dreg:$0x0] =	wrdreg $0x60  }
0xae: {  	[dreg:$0x2] =	wrdreg s24  }
0xaf: {  	[dreg:$0x3] =	wrdreg s2  }
0xb0: {  	[dreg:$0x4] =	wrdreg $0x68000  }
0xb1: {  	[dreg:$0x5] =	wrdreg $0x108000  }
0xb2: {  	[dreg:$0x6] =	wrdreg $0x9  }
0xb3: {  	_ =	task.clear_ibuf [dreg:s7], $0x7FFFF;
	_ =	strace $0x9000004C  }
0xb4: {  	s29 =	simm.s32 $0x9;
	_ =	strace $0x8000004E  }
0xb5: {  	_ =	swait.ge [sflag:s29], $0x1  }
0xb6: {  	[sflag:s29] =	ssyncadd.s32 $0xFFFFFFFF  }
0xb7: {  	_ =	strace $0x9000004E  }
0xb8: {  	_ =	sfence  }
0xb9: {  	s30 =	sld [smem:$0x0];
	_ =	sdelay $0x2  }
0xba: {  	s31 =	sshll.u32 s1, $0xD;
	s1 =	sshrl.u32 s1, $0x2  }
0xbb: {  	s3 =	sand.u32 $0x4000, s31;
	s1 =	sadd.s32 s1, s30  }
0xbc: {  	s0 =	sor.u32 s3, s0;
	s1 =	sshll.u32 s1, $0x11  }
0xbd: {  	s0 =	sor.u32 s1, s0  }
0xbe: {  	s0 =	sadd.s32 $0x8F2B, s0  }
0xbf: {  	[sflag:s0] =	ssyncadd.remote.s32 $0x1  }
0xc0: {  	_ =	sfence.sel $0xFFFF  }
0xc1: {  	[dreg:$0x0] =	wrdreg $0xFFFFFFFF;
	(pc) =	sbr.abs _section_cstart, $3  }
0xc2: {  	[dreg:$0x1] =	wrdreg $0xFFFFFFFF  }
0xc3: {  	_ =	task.clear_ibuf [dreg:s7], $0x2FFFF;
	_ =	strace $0x9FFFFFFF  }
0xc4: {  	(tm) =	ssettm $0x7FFFFFFF  }
0xc5: {  	_ =	shalt  }
tec
execute0_lowered:
.L_overlay_start_1:
0x0: {  	(tag) =	ssettag $0x1  }
0x1: {  	s0 =	rddreg [dreg:$0x0]  }
0x2: {  	s1 =	rddreg [dreg:$0x1]  }
0x3: {  	s2 =	rddreg [dreg:$0x2]  }
0x4: {  	s3 =	rddreg [dreg:$0x3];
	s10 =	stileid.u32  }
0x5: {  	s5 =	srdreg.scid;
	s4 =	simm.s32 $0x0;
	s17 =	simm.s32 $0x1  }
0x6: {  	s18 =	simm.s32 $0x8;
	s19 =	simm.s32 $0x10;
	s20 =	simm.s32 $0x3  }
0x7: {  	s21 =	simm.s32 $0x2800;
	s22 =	simm.s32 $0x1400;
	s9 =	smul.u32 $0xA00, s10  }
0x8: {  	s28 =	simm.s32 $0x1380;
	s29 =	simm.s32 $0x2700;
	s6 =	smul.u32 $0x14000, s10  }
0x9: {  	s30 =	simm.s32 $0x2780;
	s5 =	sand.u32 $0x1, s5;
	s11 =	smul.u32 $0xA000, s10  }
0xa: {  	[smem:$0x7FF] =	sst s4;
	s24 =	smul.u32 $0x28000, s10;
	s25 =	sshll.u32 s10, $0x6  }
0xb: {  	s7 =	sshll.u32 s5, $0x6;
	_ =	strace $0x8000004D;
	s5 =	ssub.s32 $0x2, s5  }
0xc: {  	s8 =	sadd.s32 s9, s0;
	s6 =	sor.u32 s7, s6;
	s23 =	sshrl.u32 s5, $0x1  }
0xd: {  	s16 =	sadd.s32 s11, s2;
	s7 =	sshrl.u32 s24, $0x2;
	s9 =	sadd.s32 s1, s9  }
0xe: {  	s31 =	sadd.s32 s11, s3;
	s24 =	simm.s32 $0x4800;
	s6 =	sshrl.u32 s6, $0x3  }
0xf: {  	s12 =	ssub.s32 s5, s23;
	s7 =	sadd.s32 s7, s3;
	s8 =	sadd.s32 $0xDA00, s8  }
0x10: {  	s16 =	sshrl.u32 s16, $0x3;
	s23 =	simm.s32 $0x80;
	s0 =	sadd.s32 s6, s0  }
0x11: {  	s6 =	sor.u32 $0x1C03, s25;
	s11 =	smax.u32 s12, $0x1;
	s12 =	sadd.s32 $0x2000, s7  }
0x12: {  	s13 =	sadd.s32 $0x4000, s7;
	s14 =	sadd.s32 $0x6000, s7;
	s26 =	sadd.s32 $0x67A00, s0  }
0x13: {  	s15 =	sadd.s32 $0x8000, s7;
	s0 =	sadd.s32 $0x8FA00, s0;
	[dreg:$0x5] =	wrdreg s26  }
0x14: {  	v0 =	vimm.f32 $0.0e+00;
	s25 =	sshrl.u32 s31, $0x3;
	[dreg:$0x6] =	wrdreg s0;
	s26 =	simm.s32 $0x2  }
.LBB2_1:
0x15: {  	s0 =	rddreg [dreg:$0x5]  }
0x16: {  	[spmem:s16@s18], [sflag:s6] =	dma.strided [hbm:s0@s19], $0x1400, s17, $0x8   }
0x17: {  	_ =	swait.ge [sflag:s20], $0x1400  }
0x18: {  	[sflag:s20] =	ssyncset.done $0x0  }
0x19: {  	s1 =	simm.s32 $0x100;
	s0 =	simm.s32 $0x0;
	[sflag:s20] =	ssyncadd.s32 $0xFFFFEC00  }
.LBB2_2:
0x1a: {  	p0 =	sne.s32 s1, $0x7F00;
	[tilespmem:s0+$0x2830] =	vst v0;
	s31 =	smov.u32 s1;
	s1 =	sadd.s32 $0x100, s1  }
.Ltmp0:
0x1b: {  	[tilespmem:s0+$0x2820] =	vst v0;
	(pc) =	sbr.rel @p0 .LBB2_2-.Ltmp0, $3  }
0x1c: {  	[tilespmem:s0+$0x2800] =	vst v0  }
0x1d: {  	[tilespmem:s0+$0x2810] =	vst v0;
	_ =	sdelay $0x1  }
0x1e: {  	s0 =	sshra.s32 s31, $0x2  }
0x1f: {  	[tilespmem:s0+$0x2830] =	vst v0  }
0x20: {  	[tilespmem:s0+$0x2820] =	vst v0  }
0x21: {  	[tilespmem:s0+$0x2800] =	vst v0  }
0x22: {  	[tilespmem:s0+$0x2810] =	vst v0  }
0x23: {  	[spmem:s7] =	stream.linear.scatter [tilespmem:s21], [sflag:$0x3], $0x2000, $0x38;
	[tilespmem:$0x1A800] =	vst v63  }
0x24: {  	_ =	swait.ge [sflag:s20], $0x2000  }
0x25: {  	[sflag:s20] =	ssyncset.done $0x0  }
0x26: {  	[sflag:s20] =	ssyncadd.s32 $0xFFFFE000  }
0x27: {  	[spmem:s12] =	stream.linear.scatter [tilespmem:s21], [sflag:$0x3], $0x2000, $0x38;
	[tilespmem:$0x1A800] =	vst v63  }
0x28: {  	_ =	swait.ge [sflag:s20], $0x2000  }
0x29: {  	[sflag:s20] =	ssyncset.done $0x0  }
0x2a: {  	[sflag:s20] =	ssyncadd.s32 $0xFFFFE000  }
0x2b: {  	[spmem:s13] =	stream.linear.scatter [tilespmem:s21], [sflag:$0x3], $0x2000, $0x38;
	[tilespmem:$0x1A800] =	vst v63  }
0x2c: {  	_ =	swait.ge [sflag:s20], $0x2000  }
0x2d: {  	[sflag:s20] =	ssyncset.done $0x0  }
0x2e: {  	[sflag:s20] =	ssyncadd.s32 $0xFFFFE000  }
0x2f: {  	[spmem:s14] =	stream.linear.scatter [tilespmem:s21], [sflag:$0x3], $0x2000, $0x38;
	[tilespmem:$0x1A800] =	vst v63  }
0x30: {  	_ =	swait.ge [sflag:s20], $0x2000  }
0x31: {  	[sflag:s20] =	ssyncset.done $0x0  }
0x32: {  	[sflag:s20] =	ssyncadd.s32 $0xFFFFE000  }
0x33: {  	[spmem:s15] =	stream.linear.scatter [tilespmem:s21], [sflag:$0x3], $0x2000, $0x38;
	[tilespmem:$0x1A800] =	vst v63  }
0x34: {  	_ =	swait.ge [sflag:s20], $0x2000  }
0x35: {  	[sflag:s20] =	ssyncset.done $0x0  }
0x36: {  	[sflag:s20] =	ssyncadd.s32 $0xFFFFE000  }
0x37: {  	s31 =	simm.s32 $0x0;
	s0 =	simm.s32 $0x0;
	[bflag:$0x0] =	sbarrier.arrive $0xFFFF  }
.LBB2_4:
0x38: {  	s1 =	smul.u32 $0x280, s0;
	_ =	sdelay $0x1  }
0x39: {  	s5 =	sadd.s32 s1, s8  }
0x3a: {  	[tilespmem:s31], [sflag:$0x3] =	stream.linear.gather [hbm4b:s5+s31], $0x1400, $0x38;
	[tilespmem:$0x1A800] =	vst v63  }
0x3b: {  	_ =	swait.ge [sflag:s20], $0x1400  }
0x3c: {  	[sflag:s20] =	ssyncset.done $0x0  }
0x3d: {  	s1 =	sadd.s32 s1, s9;
	[sflag:s20] =	ssyncadd.s32 $0xFFFFEC00  }
0x3e: {  	[tilespmem:s22], [sflag:$0x3] =	stream.linear.gather [hbm4b:s1+s31], $0x1400, $0x38;
	[tilespmem:$0x1A800] =	vst v63  }
0x3f: {  	_ =	swait.ge [sflag:s20], $0x1400  }
0x40: {  	[sflag:s20] =	ssyncset.done $0x0  }
0x41: {  	[sflag:s20] =	ssyncadd.s32 $0xFFFFEC00  }
0x42: {  	[tilespmem:s21], [sflag:$0x1] =	stream.indirect.gather [spmem:s2], $0x40, s31, s23, $0xb8;
	[tilespmem:$0x1A800] =	vst v63  }
0x43: {  	_ =	swait.ge [sflag:s17], $0x2000  }
0x44: {  	[sflag:s17] =	ssyncset.done $0x0  }
0x45: {  	s5 =	simm.s32 $0x80;
	[sflag:s17] =	ssyncadd.s32 $0xFFFFE000  }
0x46: {  	[tilespmem:s24], [sflag:$0x2] =	stream.indirect.gather [spmem:s2], $0x40, s5, s23, $0xb8;
	[tilespmem:$0x1A800] =	vst v63  }
0x47: {  	s10 =	simm.s32 $0x1400  }
0x48: {  	[spmem:s3] =	stream.indirect.scatter.add.f32 [tilespmem:s21], [sflag:$0x3], $0x40, s10, s23, $0xb8;
	[tilespmem:$0x1A800] =	vst v63  }
0x49: {  	_ =	swait.ge [sflag:s20], $0x2000  }
0x4a: {  	[sflag:s20] =	ssyncset.done $0x0  }
0x4b: {  	[sflag:s20] =	ssyncadd.s32 $0xFFFFE000  }
0x4c: {  	_ =	swait.ge [sflag:s26], $0x2000  }
0x4d: {  	[sflag:s26] =	ssyncset.done $0x0  }
0x4e: {  	s5 =	simm.s32 $0x100;
	[sflag:s26] =	ssyncadd.s32 $0xFFFFE000  }
0x4f: {  	[tilespmem:s21], [sflag:$0x1] =	stream.indirect.gather [spmem:s2], $0x40, s5, s23, $0xb8;
	[tilespmem:$0x1A800] =	vst v63  }
0x50: {  	s10 =	simm.s32 $0x1480  }
0x51: {  	[spmem:s3] =	stream.indirect.scatter.add.f32 [tilespmem:s24], [sflag:$0x3], $0x40, s10, s23, $0xb8;
	[tilespmem:$0x1A800] =	vst v63  }
0x52: {  	_ =	swait.ge [sflag:s20], $0x2000  }
0x53: {  	s1 =	simm.s32 $0x400;
	[sflag:s20] =	ssyncset.done $0x0  }
.LBB2_5:
0x54: {  	p0 =	sne.s32 s1, $0x4800  }
0x55: {  	[sflag:s20] =	ssyncadd.s32 $0xFFFFE000;
	s5 =	smov.u32 s1;
	s1 =	sadd.s32 $0x400, s1  }
0x56: {  	_ = 	snop  }
0x57: {  	_ =	swait.ge [sflag:s17], $0x2000  }
0x58: {  	s5 =	sshra.s32 s5, $0x2;
	[sflag:s17] =	ssyncset.done $0x0  }
0x59: {  	s10 =	sadd.s32 $0x80, s5;
	[sflag:s17] =	ssyncadd.s32 $0xFFFFE000  }
0x5a: {  	[tilespmem:s24], [sflag:$0x2] =	stream.indirect.gather [spmem:s2], $0x40, s10, s23, $0xb8;
	[tilespmem:$0x1A800] =	vst v63  }
0x5b: {  	s10 =	sadd.s32 $0x1400, s5  }
0x5c: {  	[spmem:s3] =	stream.indirect.scatter.add.f32 [tilespmem:s21], [sflag:$0x3], $0x40, s10, s23, $0xb8;
	[tilespmem:$0x1A800] =	vst v63  }
0x5d: {  	_ =	swait.ge [sflag:s20], $0x2000  }
0x5e: {  	[sflag:s20] =	ssyncset.done $0x0  }
0x5f: {  	[sflag:s20] =	ssyncadd.s32 $0xFFFFE000  }
0x60: {  	_ =	swait.ge [sflag:s26], $0x2000  }
0x61: {  	[sflag:s26] =	ssyncset.done $0x0  }
0x62: {  	s10 =	sadd.s32 $0x100, s5;
	[sflag:s26] =	ssyncadd.s32 $0xFFFFE000  }
0x63: {  	[tilespmem:s21], [sflag:$0x1] =	stream.indirect.gather [spmem:s2], $0x40, s10, s23, $0xb8;
	[tilespmem:$0x1A800] =	vst v63  }
.Ltmp1:
0x64: {  	_ = 	snop;
	(pc) =	sbr.rel @p0 .LBB2_5-.Ltmp1, $4  }
0x65: {  	s5 =	sadd.s32 $0x1480, s5  }
0x66: {  	[spmem:s3] =	stream.indirect.scatter.add.f32 [tilespmem:s24], [sflag:$0x3], $0x40, s5, s23, $0xb8;
	[tilespmem:$0x1A800] =	vst v63  }
0x67: {  	_ =	swait.ge [sflag:s20], $0x2000  }
0x68: {  	[sflag:s20] =	ssyncset.done $0x0  }
0x69: {  	[sflag:s20] =	ssyncadd.s32 $0xFFFFE000  }
0x6a: {  	_ =	swait.ge [sflag:s17], $0x2000  }
0x6b: {  	[sflag:s17] =	ssyncset.done $0x0  }
0x6c: {  	[sflag:s17] =	ssyncadd.s32 $0xFFFFE000  }
0x6d: {  	[tilespmem:s24], [sflag:$0x2] =	stream.indirect.gather [spmem:s2], $0x40, s28, s23, $0xb8;
	[tilespmem:$0x1A800] =	vst v63  }
0x6e: {  	_ = 	snop  }
0x6f: {  	[spmem:s3] =	stream.indirect.scatter.add.f32 [tilespmem:s21], [sflag:$0x3], $0x40, s29, s23, $0xb8;
	[tilespmem:$0x1A800] =	vst v63  }
0x70: {  	_ =	swait.ge [sflag:s20], $0x2000  }
0x71: {  	[sflag:s20] =	ssyncset.done $0x0  }
0x72: {  	[sflag:s20] =	ssyncadd.s32 $0xFFFFE000  }
0x73: {  	s0 =	sadd.s32 $0x1, s0;
	_ =	swait.ge [sflag:s26], $0x2000  }
0x74: {  	p0 =	sne.s32 s0, $0x4;
	[sflag:s26] =	ssyncset.done $0x0  }
.Ltmp2:
0x75: {  	[sflag:s26] =	ssyncadd.s32 $0xFFFFE000;
	(pc) =	sbr.rel @p0 .LBB2_4-.Ltmp2, $4  }
0x76: {  	[spmem:s3] =	stream.indirect.scatter.add.f32 [tilespmem:s24], [sflag:$0x3], $0x40, s30, s23, $0xb8;
	[tilespmem:$0x1A800] =	vst v63  }
0x77: {  	_ =	swait.ge [sflag:s20], $0x2000  }
0x78: {  	[sflag:s20] =	ssyncset.done $0x0  }
0x79: {  	[sflag:s20] =	ssyncadd.s32 $0xFFFFE000  }
0x7a: {  	s4 =	sadd.s32 $0x1, s4  }
0x7b: {  	[bflag:$0x0] =	sbarrier.arrive $0xFFFF;
	p0 =	sne.s32 s4, s11  }
.Ltmp3:
0x7c: {  	s0 =	rddreg [dreg:$0x6];
	(pc) =	sbr.rel @p0 .LBB2_1-.Ltmp3, $4  }
0x7d: {  	[hbm:s0@s19], [sflag:s6] =	dma.strided [spmem:s25@s18], $0x1400, s17, $0x8   }
0x7e: {  	_ =	swait.ge [sflag:s20], $0x1400  }
0x7f: {  	[sflag:s20] =	ssyncset.done $0x0  }
0x80: {  	[sflag:s20] =	ssyncadd.s32 $0xFFFFEC00  }
0x81: {  	_ =	sfence.sel $0x180000  }
0x82: {  	[bflag:$0x0] =	sbarrier.arrive $0xFFFF  }
0x83: {  	_ =	strace $0x9000004D  }
0x84: {  	s0 =	stileid.u32;
	[bflag:$0x2] =	sbarrier.arrive $0xFFFF  }
0x85: {  	p0 =	sne.s32 s0, $0x0;
	s0 =	rddreg [dreg:$0x4]  }
0x86: {  	s0 =	sadd.s32 @!p0 $0x100000, s0  }
0x87: {  	[sflag:s0] =	ssyncadd.tile.s32 @!p0 $0x1;
	_ =	shalt  }
.Lfunc_end2:
_tile_overlayer_lowered:
.L_overlay_start_2:
0x88: {  	(tag) =	ssettag $0x2  }
0x89: {  	s0 =	rddreg [dreg:$0x0];
	s2 =	stileid.u32  }
0x8a: {  	s1 =	rddreg [dreg:$0x1];
	p0 =	sne.s32 s2, $0x0  }
0x8b: {  	s3 =	rddreg [dreg:$0x2];
	[bflag:$0x3] =	sbarrier.arrive $0xFFFF;
	s2 =	simm.s32 @!p0 $0x1C03  }
0x8c: {  	[timem:s3], [sflag:s2] =	dma.local @!p0 [hbm:s0], s1  }
0x8d: {  	s0 =	simm.s32 @!p0 $0x3  }
0x8e: {  	_ =	swait.ge @!p0 [sflag:s0], s1  }
0x8f: {  	s1 =	ssub.s32 @!p0 $0x0, s1;
	[sflag:s0] =	ssyncset.done @!p0 $0x0  }
0x90: {  	[sflag:s0] =	ssyncadd.s32 @!p0 s1  }
0x91: {  	[bflag:$0x3] =	sbarrier.arrive $0xFFFF  }
0x92: {  	_ =	shalt  }

// kernel: kernel.8.cloned.1.call-start
scs
__scs_entry_jumppad:
0x0: {  	(pc) =	sbr.rel $0x88, $3  }
0x1: {  	(tag) =	ssettag $0x0;
	lr =	simm.s32 $0x1  }
0x2: {  	[smem:$0x3F9B] =	sst lr;
	_ =	strace $0xD0000000  }
0x3: {  	_ = 	snop  }
0x4: {  	_ = 	snop  }
0x5: {  	_ = 	snop  }
0x6: {  	_ = 	snop  }
0x7: {  	_ = 	snop  }
__scs_overlays_trampoline_lowered:
0x8: {  	[smem:$0x3FAA] =	sst s0  }
0x9: {  	[smem:$0x3FAB] =	sst s1  }
0xa: {  	[smem:$0x3FAC] =	sst s2  }
0xb: {  	[smem:$0x3FAD] =	sst s3  }
0xc: {  	[smem:$0x3FAE] =	sst s4  }
0xd: {  	[smem:$0x3FAF] =	sst s5  }
0xe: {  	[smem:$0x3FB0] =	sst s6  }
0xf: {  	[smem:$0x3FB1] =	sst s7  }
0x10: {  	[smem:$0x3FB2] =	sst s8  }
0x11: {  	[smem:$0x3FB3] =	sst s9;
	s0 =	simm.s32 @!p0 $0x0  }
0x12: {  	s1 =	sld [smem:$0x3F99];
	s0 =	simm.s32 @p0 $0x1  }
0x13: {  	[smem:$0x3FB4] =	sst s0;
	s0 =	simm.s32 @!p1 $0x0  }
0x14: {  	s2 =	sld [smem:$0x3F98];
	s0 =	simm.s32 @p1 $0x1  }
0x15: {  	[smem:$0x3FB5] =	sst s0;
	s0 =	simm.s32 @!p2 $0x0  }
0x16: {  	s3 =	sld [smem:$0x3FDB];
	s0 =	simm.s32 @p2 $0x1  }
0x17: {  	s4 =	simm.s32 $0x1BF5;
	[smem:$0x3FB7] =	sst s0  }
0x18: {  	s0 =	sld [smem:$0x3F9A];
	_ =	swait.ge [sflag:s4], $0x0  }
0x19: {  	s7 =	sld [smem:$0x3F9B]  }
0x1a: {  	s8 =	sadd.s32 $0xFFFFE003, lr  }
0x1b: {  	s9 =	sadd.s32 $0xFFFFFEF7, lr;
	s5 =	simm.s32 $0xFFFFFFFF;
	p2 =	slt.u32 s8, $0xFFFFF086  }
0x1c: {  	p1 =	slt.u32 s9, $0xF7A;
	s5 =	simm.s32 @!p2 $0x0  }
0x1d: {  	s5 =	simm.s32 @p1 $0x1;
	p0 =	seq.s32 s7, s2  }
0x1e: {  	s7 =	smul.u32 @!p0 $0xF7A, s2;
	p2 =	seq.s32 @!p0 s5, $0x0  }
0x1f: {  	s9 =	smul.u32 $0xF7A, s1;
	s8 =	simm.s32 @!p0 $0x1BF5;
	p2 =	por !p2, p0  }
0x20: {  	[sflag:s8] =	ssyncset.s32 @!p0 $0xFFFFF086;
	s6 =	sadd.s32 @!p0 s3, s7;
	s7 =	simm.s32 @!p0 $0x108  }
0x21: {  	s3 =	sadd.s32 s3, s9;
	s6 =	sadd.s32 @!p0 $0x88, s6;
	s7 =	simm.s32 @p2 $0x1082  }
0x22: {  	[simem:s7], [sflag:s8] =	dma.local @!p0 [hbm:s6], $0xF7A  }
0x23: {  	s9 =	sor.u32 $0xD0000000, s2;
	s6 =	simm.s32 $0x108;
	_ =	swait.ge @!p0 [sflag:s8], $0x0  }
0x24: {  	s3 =	sadd.s32 $0x88, s3;
	s6 =	simm.s32 @!p1 $0x1082;
	[sflag:s4] =	ssyncset.s32 $0xFFFFF086  }
0x25: {  	[simem:s6], [sflag:s4] =	dma.local [hbm:s3], $0xF7A  }
0x26: {  	[smem:$0x3F9B] =	sst s1;
	(tag) =	ssettag s2;
	_ =	strace s9  }
0x27: {  	s1 =	sld [smem:$0x3FAB]  }
0x28: {  	s2 =	sld [smem:$0x3FAC]  }
0x29: {  	s4 =	sld [smem:$0x3FAE]  }
0x2a: {  	p0 =	seq.s32 s5, $0x0;
	s5 =	sld [smem:$0x3FAF]  }
0x2b: {  	s6 =	sld [smem:$0x3FB0]  }
0x2c: {  	s7 =	sld [smem:$0x3FB1]  }
0x2d: {  	s3 =	simm.s32 $0x108;
	s8 =	sld [smem:$0x3FB2]  }
0x2e: {  	s3 =	simm.s32 @!p0 $0x1082;
	s9 =	sld [smem:$0x3FB3]  }
0x2f: {  	lr =	sadd.s32 s0, s3;
	s0 =	sld [smem:$0x3FAA]  }
0x30: {  	s3 =	sld [smem:$0x3FAD]  }
0x31: {  	[smem:$0x3FB6] =	sst s10  }
0x32: {  	s10 =	sld [smem:$0x3FB4];
	_ =	sdelay $0x3  }
0x33: {  	p0 =	seq.s32 s10, $0x1;
	s10 =	sld [smem:$0x3FB6];
	_ =	sdelay $0x3  }
0x34: {  	[smem:$0x3FB6] =	sst s10  }
0x35: {  	s10 =	sld [smem:$0x3FB5];
	_ =	sdelay $0x3  }
0x36: {  	p1 =	seq.s32 s10, $0x1;
	s10 =	sld [smem:$0x3FB6];
	_ =	sdelay $0x3  }
0x37: {  	[smem:$0x3FB6] =	sst s10  }
0x38: {  	s10 =	sld [smem:$0x3FB7]  }
0x39: {  	_ = 	snop;
	(pc) =	sbr.ind lr, $3  }
0x3a: {  	_ = 	snop  }
0x3b: {  	_ = 	snop  }
0x3c: {  	p2 =	seq.s32 s10, $0x1;
	s10 =	sld [smem:$0x3FB6]  }
0x3d: {  	_ =	shalt  }
0x3e: {  	_ =	shalt  }
0x3f: {  	_ =	shalt  }
0x40: {  	_ =	shalt  }
0x41: {  	_ =	shalt  }
0x42: {  	_ =	shalt  }
0x43: {  	_ =	shalt  }
0x44: {  	_ =	shalt  }
0x45: {  	_ =	shalt  }
0x46: {  	_ =	shalt  }
0x47: {  	_ =	shalt  }
0x48: {  	_ =	shalt  }
0x49: {  	_ =	shalt  }
0x4a: {  	_ =	shalt  }
0x4b: {  	_ =	shalt  }
0x4c: {  	_ =	shalt  }
0x4d: {  	_ =	shalt  }
0x4e: {  	_ =	shalt  }
0x4f: {  	_ =	shalt  }
0x50: {  	_ =	shalt  }
0x51: {  	_ =	shalt  }
0x52: {  	_ =	shalt  }
0x53: {  	_ =	shalt  }
0x54: {  	_ =	shalt  }
0x55: {  	_ =	shalt  }
0x56: {  	_ =	shalt  }
0x57: {  	_ =	shalt  }
0x58: {  	_ =	shalt  }
0x59: {  	_ =	shalt  }
0x5a: {  	_ =	shalt  }
0x5b: {  	_ =	shalt  }
0x5c: {  	_ =	shalt  }
0x5d: {  	_ =	shalt  }
0x5e: {  	_ =	shalt  }
0x5f: {  	_ =	shalt  }
0x60: {  	_ =	shalt  }
0x61: {  	_ =	shalt  }
0x62: {  	_ =	shalt  }
0x63: {  	_ =	shalt  }
0x64: {  	_ =	shalt  }
0x65: {  	_ =	shalt  }
0x66: {  	_ =	shalt  }
0x67: {  	_ =	shalt  }
0x68: {  	_ =	shalt  }
0x69: {  	_ =	shalt  }
0x6a: {  	_ =	shalt  }
0x6b: {  	_ =	shalt  }
0x6c: {  	_ =	shalt  }
0x6d: {  	_ =	shalt  }
0x6e: {  	_ =	shalt  }
0x6f: {  	_ =	shalt  }
0x70: {  	_ =	shalt  }
0x71: {  	_ =	shalt  }
0x72: {  	_ =	shalt  }
0x73: {  	_ =	shalt  }
0x74: {  	_ =	shalt  }
0x75: {  	_ =	shalt  }
0x76: {  	_ =	shalt  }
0x77: {  	_ =	shalt  }
0x78: {  	_ =	shalt  }
0x79: {  	_ =	shalt  }
0x7a: {  	_ =	shalt  }
0x7b: {  	_ =	shalt  }
0x7c: {  	_ =	shalt  }
0x7d: {  	_ =	shalt  }
0x7e: {  	_ =	shalt  }
0x7f: {  	_ =	shalt  }
0x80: {  	_ =	shalt  }
0x81: {  	_ =	shalt  }
0x82: {  	_ =	shalt  }
0x83: {  	_ =	shalt  }
0x84: {  	_ =	shalt  }
0x85: {  	_ =	shalt  }
0x86: {  	_ =	shalt  }
0x87: {  	_ =	shalt  }
.Lfunc_end0:
.L_simem_size_0:
called_computation_lowered:
.L_overlay_start_0:
0x88: {  	s2 =	sld [smem:$0x3FD9]  }
0x89: {  	s3 =	sld [smem:$0x3FFE];
	_ =	sdelay $0x1  }
0x8a: {  	s1 =	srdreg.scid  }
0x8b: {  	s0 =	sand.u32 $0x1, s1  }
0x8c: {  	s17 =	sshll.u32 s0, $0xA;
	s2 =	sadd.s32 s3, s2  }
0x8d: {  	s2 =	sadd.s32 s2, s17  }
0x8e: {  	[smem:$0x3FC2] =	sst s2  }
0x8f: {  	_ = 	snop  }
0x90: {  	s2 =	sld [smem:$0x3FD0];
	(tm) =	ssettm $0x1  }
0x91: {  	s18 =	sld [smem:$0x3FFB];
	_ =	sdelay $0x3  }
0x92: {  	_ =	strace s18  }
0x93: {  	s3 =	sld [smem:$0x3FFC];
	_ =	sdelay $0x3  }
0x94: {  	_ =	strace s3  }
0x95: {  	s3 =	sld [smem:$0x3FFD];
	_ =	sdelay $0x3  }
0x96: {  	_ =	strace s3  }
0x97: {  	_ =	strace $0x8FFFFFFF  }
0x98: {  	s19 =	sld [smem:$0x3FDB];
	_ =	sdelay $0x1  }
0x99: {  	s4 =	simm.s32 $_scs_section_size  }
0x9a: {  	s5 =	simm.s32 $_size__tile_overlayer_lowered;
	s6 =	simm.s32 $_tile_overlayer_lowered  }
0x9b: {  	s22 =	simm.s32 $0x1BFF;
	s21 =	sshll.u32 s6, $0x1;
	s3 =	sadd.s32 s4, s19  }
0x9c: {  	s7 =	simm.s32 $0x0;
	s20 =	sshll.u32 s5, $0x1;
	s5 =	sadd.s32 s21, s3  }
0x9d: {  	[timem:s7], [sflag:s22] =	dma.local [hbm:s5], s20  }
0x9e: {  	_ =	swait.ge [sflag:s22], s20  }
0x9f: {  	s4 =	ssub.s32 $0x0, s20;
	[sflag:s22] =	ssyncset.done $0x0  }
0xa0: {  	[sflag:s22] =	ssyncadd.s32 s4;
	_ =	sdelay $0x1  }
0xa1: {  	s23 =	simm.s32 $0x1B8B  }
0xa2: {  	_ =	swait.ge [sflag:s23], $0x1  }
0xa3: {  	[sflag:s23] =	ssyncset.done $0x0  }
0xa4: {  	s25 =	simm.s32 $0x1B8E;
	s24 =	sld [smem:$0x3FFE];
	[sflag:s23] =	ssyncadd.s32 $0xFFFFFFFF  }
0xa5: {  	s26 =	simm.s32 $execute0_lowered;
	[smem:$0x3FD2] =	sst s25  }
0xa6: {  	s5 =	sshll.u32 s26, $0x1;
	_ =	strace $0x80000046;
	[dreg:$0x1] =	wrdreg $0xFFFFFFFF  }
0xa7: {  	s28 =	simm.s32 $_size_execute0_lowered;
	s3 =	sadd.s32 s3, s5;
	[dreg:$0x0] =	wrdreg $0x0  }
0xa8: {  	s5 =	sshll.u32 s28, $0x1;
	[dreg:$0x2] =	wrdreg s3  }
0xa9: {  	[dreg:$0x3] =	wrdreg s5  }
0xaa: {  	[dreg:$0x4] =	wrdreg $0xC0  }
0xab: {  	_ =	task [dreg:s7], $0x5FFFF  }
0xac: {  	[dreg:$0x1] =	wrdreg $0xFFFFFFFF  }
0xad: {  	[dreg:$0x0] =	wrdreg $0x60  }
0xae: {  	[dreg:$0x2] =	wrdreg s2  }
0xaf: {  	[dreg:$0x3] =	wrdreg s24  }
0xb0: {  	[dreg:$0x4] =	wrdreg $0x38000  }
0xb1: {  	[dreg:$0x5] =	wrdreg $0x9  }
0xb2: {  	_ =	task.clear_ibuf [dreg:s7], $0x6FFFF;
	_ =	strace $0x90000046  }
0xb3: {  	s29 =	simm.s32 $0x9;
	_ =	strace $0x80000048  }
0xb4: {  	_ =	swait.ge [sflag:s29], $0x1  }
0xb5: {  	[sflag:s29] =	ssyncadd.s32 $0xFFFFFFFF  }
0xb6: {  	_ =	strace $0x90000048  }
0xb7: {  	_ =	sfence  }
0xb8: {  	s30 =	sld [smem:$0x0];
	_ =	sdelay $0x2  }
0xb9: {  	s31 =	sshll.u32 s1, $0xD;
	s1 =	sshrl.u32 s1, $0x2  }
0xba: {  	s3 =	sand.u32 $0x4000, s31;
	s1 =	sadd.s32 s1, s30  }
0xbb: {  	s0 =	sor.u32 s3, s0;
	s1 =	sshll.u32 s1, $0x11  }
0xbc: {  	s0 =	sor.u32 s1, s0  }
0xbd: {  	s0 =	sadd.s32 $0x8F2B, s0  }
0xbe: {  	[sflag:s0] =	ssyncadd.remote.s32 $0x1  }
0xbf: {  	_ =	sfence.sel $0xFFFF  }
0xc0: {  	[dreg:$0x0] =	wrdreg $0xFFFFFFFF;
	(pc) =	sbr.abs _section_cstart, $3  }
0xc1: {  	[dreg:$0x1] =	wrdreg $0xFFFFFFFF  }
0xc2: {  	_ =	task.clear_ibuf [dreg:s7], $0x2FFFF;
	_ =	strace $0x9FFFFFFF  }
0xc3: {  	(tm) =	ssettm $0x7FFFFFFF  }
tec
execute0_lowered:
.L_overlay_start_1:
0x0: {  	(tag) =	ssettag $0x1  }
0x1: {  	s5 =	rddreg [dreg:$0x0]  }
0x2: {  	s4 =	rddreg [dreg:$0x1];
	s2 =	srdreg.scid  }
0x3: {  	s1 =	rddreg [dreg:$0x2];
	s6 =	sand.u32 $0x1, s2  }
0x4: {  	s2 =	stileid.u32;
	s7 =	smul.u32 $0x28000, s6  }
0x5: {  	s0 =	rddreg [dreg:$0x3];
	s3 =	simm.s32 $0x0;
	s8 =	smul.u32 $0x2800, s2  }
0x6: {  	[smem:$0x7FF] =	sst s3;
	s10 =	smul.u32 $0xA000, s2  }
0x7: {  	s15 =	simm.s32 $0x2800;
	_ =	strace $0x80000047;
	s12 =	smul.u32 $0xA00, s2  }
0x8: {  	s9 =	ssub.s32 $0x2, s6;
	s14 =	smul.u32 $0x500, s6;
	s16 =	sshll.u32 s2, $0x6  }
0x9: {  	s11 =	sshrl.u32 s9, $0x1;
	s16 =	sor.u32 $0x1C01, s16;
	s7 =	sadd.s32 s8, s7  }
0xa: {  	s9 =	ssub.s32 s9, s11;
	s31 =	sshrl.u32 s10, $0x2;
	s13 =	sadd.s32 s5, s12  }
0xb: {  	s17 =	sadd.s32 s8, s1;
	s11 =	simm.s32 $0x3000;
	s12 =	simm.s32 $0x1  }
0xc: {  	s7 =	sshrl.u32 s7, $0x3;
	s6 =	smax.u32 s9, $0x1;
	s13 =	sadd.s32 s14, s13  }
0xd: {  	s14 =	simm.s32 $0x80;
	s7 =	sadd.s32 s7, s4;
	s4 =	sadd.s32 s31, s1  }
0xe: {  	s17 =	sshrl.u32 s17, $0x3;
	s5 =	sadd.s32 $0x3A00, s7;
	s7 =	sadd.s32 $0x800, s4  }
0xf: {  	v0 =	vimm.f32 $1.000000000e+00;
	v1 =	vimm.f32 $0.0e+00;
	s8 =	sadd.s32 $0x1000, s4;
	s9 =	sadd.s32 $0x1800, s4;
	s10 =	sadd.s32 $0x2000, s4  }
.LBB2_1:
0x10: {  	s18 =	simm.s32 $0x0  }
.LBB2_2:
0x11: {  	p0 =	sne.s32 s18, $0x1FC0  }
.Ltmp0:
0x12: {  	_ = 	snop;
	(pc) =	sbr.rel @p0 .LBB2_2-.Ltmp0, $3  }
0x13: {  	_ =	sdelay $0x1  }
0x14: {  	s19 =	sshra.s32 s18, $0x2  }
0x15: {  	s18 =	sadd.s32 $0x40, s18;
	[tilespmem:s19+$0x2800] =	vst v0  }
0x16: {  	s18 =	simm.s32 $0x40;
	s19 =	simm.s32 $0x0  }
.LBB2_4:
0x17: {  	p0 =	sne.s32 s18, $0x1FC0;
	[tilespmem:s19+$0x3000] =	vst v1;
	s19 =	smov.u32 s18;
	s18 =	sadd.s32 $0x40, s18  }
.Ltmp1:
0x18: {  	(pc) =	sbr.rel @p0 .LBB2_4-.Ltmp1, $2  }
0x19: {  	_ =	sdelay $0x2  }
0x1a: {  	s19 =	sshra.s32 s19, $0x2  }
0x1b: {  	[tilespmem:s19+$0x3000] =	vst v1  }
0x1c: {  	[spmem:s4] =	stream.linear.scatter [tilespmem:s11], [sflag:$0x1], $0x800, $0x38;
	[tilespmem:$0x6000] =	vst v63  }
0x1d: {  	_ =	swait.ge [sflag:s12], $0x800  }
0x1e: {  	[sflag:s12] =	ssyncset.done $0x0  }
0x1f: {  	[sflag:s12] =	ssyncadd.s32 $0xFFFFF800  }
0x20: {  	[spmem:s7] =	stream.linear.scatter [tilespmem:s11], [sflag:$0x1], $0x800, $0x38;
	[tilespmem:$0x6000] =	vst v63  }
0x21: {  	_ =	swait.ge [sflag:s12], $0x800  }
0x22: {  	[sflag:s12] =	ssyncset.done $0x0  }
0x23: {  	[sflag:s12] =	ssyncadd.s32 $0xFFFFF800  }
0x24: {  	[spmem:s8] =	stream.linear.scatter [tilespmem:s11], [sflag:$0x1], $0x800, $0x38;
	[tilespmem:$0x6000] =	vst v63  }
0x25: {  	_ =	swait.ge [sflag:s12], $0x800  }
0x26: {  	[sflag:s12] =	ssyncset.done $0x0  }
0x27: {  	[sflag:s12] =	ssyncadd.s32 $0xFFFFF800  }
0x28: {  	[spmem:s9] =	stream.linear.scatter [tilespmem:s11], [sflag:$0x1], $0x800, $0x38;
	[tilespmem:$0x6000] =	vst v63  }
0x29: {  	_ =	swait.ge [sflag:s12], $0x800  }
0x2a: {  	[sflag:s12] =	ssyncset.done $0x0  }
0x2b: {  	[sflag:s12] =	ssyncadd.s32 $0xFFFFF800  }
0x2c: {  	[spmem:s10] =	stream.linear.scatter [tilespmem:s11], [sflag:$0x1], $0x800, $0x38;
	[tilespmem:$0x6000] =	vst v63  }
0x2d: {  	_ =	swait.ge [sflag:s12], $0x800  }
0x2e: {  	[sflag:s12] =	ssyncset.done $0x0  }
0x2f: {  	[sflag:s12] =	ssyncadd.s32 $0xFFFFF800  }
0x30: {  	s18 =	simm.s32 $0x0;
	[bflag:$0x0] =	sbarrier.arrive $0xFFFF  }
0x31: {  	[tilespmem:s18], [sflag:$0x1] =	stream.linear.gather [hbm4b:s13+s18], $0x2800, $0x38;
	[tilespmem:$0x6000] =	vst v63  }
0x32: {  	_ =	swait.ge [sflag:s12], $0x2800  }
0x33: {  	[sflag:s12] =	ssyncset.done $0x0  }
0x34: {  	s31 =	simm.s32 $0x0;
	[sflag:s12] =	ssyncadd.s32 $0xFFFFD800  }
0x35: {  	[spmem:s1] =	stream.indirect.scatter.add.f32 [tilespmem:s15], [sflag:$0x1], $0x10, s31, s14, $0xb8;
	[tilespmem:$0x6000] =	vst v63  }
0x36: {  	_ =	swait.ge [sflag:s12], $0x800  }
0x37: {  	s18 =	simm.s32 $0x200;
	[sflag:s12] =	ssyncset.done $0x0  }
.LBB2_6:
0x38: {  	s19 =	sshra.s32 s18, $0x2;
	[sflag:s12] =	ssyncadd.s32 $0xFFFFF800;
	p0 =	sne.s32 s18, $0x9E00  }
0x39: {  	[spmem:s1] =	stream.indirect.scatter.add.f32 [tilespmem:s15], [sflag:$0x1], $0x10, s19, s14, $0xb8;
	[tilespmem:$0x6000] =	vst v63  }
.Ltmp2:
0x3a: {  	_ = 	snop;
	(pc) =	sbr.rel @p0 .LBB2_6-.Ltmp2, $4  }
0x3b: {  	_ = 	snop  }
0x3c: {  	s18 =	sadd.s32 $0x200, s18  }
0x3d: {  	_ =	swait.ge [sflag:s12], $0x800  }
0x3e: {  	[sflag:s12] =	ssyncset.done $0x0  }
0x3f: {  	s3 =	sadd.s32 $0x1, s3  }
0x40: {  	[sflag:s12] =	ssyncadd.s32 $0xFFFFF800;
	p0 =	sne.s32 s3, s6  }
.Ltmp3:
0x41: {  	[bflag:$0x0] =	sbarrier.arrive $0xFFFF;
	(pc) =	sbr.rel @p0 .LBB2_1-.Ltmp3, $4  }
0x42: {  	[hbm:s5], [sflag:s16] =	dma.local [spmem:s17], $0x500  }
0x43: {  	_ =	swait.ge [sflag:s12], $0x500  }
0x44: {  	[sflag:s12] =	ssyncset.done $0x0  }
0x45: {  	[sflag:s12] =	ssyncadd.s32 $0xFFFFFB00  }
0x46: {  	_ =	sfence.sel $0x180000  }
0x47: {  	[bflag:$0x0] =	sbarrier.arrive $0xFFFF  }
0x48: {  	p0 =	sne.s32 s2, $0x0;
	_ =	strace $0x90000047  }
0x49: {  	s0 =	sadd.s32 @!p0 $0x100000, s0;
	[bflag:$0x2] =	sbarrier.arrive $0xFFFF  }
0x4a: {  	[sflag:s0] =	ssyncadd.tile.s32 @!p0 $0x1;
	_ =	shalt  }
.Lfunc_end2:
_tile_overlayer_lowered:
.L_overlay_start_2:
0x4b: {  	(tag) =	ssettag $0x2  }
0x4c: {  	s0 =	rddreg [dreg:$0x0];
	s2 =	stileid.u32  }
0x4d: {  	s1 =	rddreg [dreg:$0x1];
	p0 =	sne.s32 s2, $0x0  }
0x4e: {  	s3 =	rddreg [dreg:$0x2];
	[bflag:$0x3] =	sbarrier.arrive $0xFFFF;
	s2 =	simm.s32 @!p0 $0x1C01  }
0x4f: {  	[timem:s3], [sflag:s2] =	dma.local @!p0 [hbm:s0], s1  }
0x50: {  	s0 =	simm.s32 @!p0 $0x1  }
0x51: {  	_ =	swait.ge @!p0 [sflag:s0], s1  }
0x52: {  	s1 =	ssub.s32 @!p0 $0x0, s1;
	[sflag:s0] =	ssyncset.done @!p0 $0x0  }
0x53: {  	[sflag:s0] =	ssyncadd.s32 @!p0 s1  }
0x54: {  	[bflag:$0x3] =	sbarrier.arrive $0xFFFF  }
0x55: {  	_ =	shalt  }

</sc_bundles>
